<compile_context>
chip_gen: v7x
topology: tpu7x:2x2x1
jax: 0.10.2.dev20260603
libtpu: 0.0.44.dev20260713+nightly
codegen_flags: <defaults>
</compile_context>

<pallas_src>
import functools

import jax
import jax.numpy as jnp
from jax import lax
from jax.experimental import pallas as pl
from jax.experimental.pallas import tpu as pltpu
from jax.experimental.pallas import tpu_sc as plsc

UNITS = 128
B = 4096
N = 200

_INFO = plsc.get_sparse_core_info()
_NC = _INFO.num_cores
_NS = _INFO.num_subcores
_NW = _NC * _NS
_BPW = B // _NW
_L = 16


def _sc_gather(table, first_ids, last_ids):
    mesh = plsc.VectorSubcoreMesh(core_axis_name="c", subcore_axis_name="s")

    @functools.partial(
        pl.kernel,
        mesh=mesh,
        out_type=jax.ShapeDtypeStruct((B, 2 * UNITS), jnp.float32),
        scratch_types=[
            pltpu.VMEM((_BPW,), jnp.int32),
            pltpu.VMEM((_BPW,), jnp.int32),
            pltpu.VMEM((_BPW, UNITS), jnp.float32),
            pltpu.VMEM((_BPW, UNITS), jnp.float32),
            pltpu.SemaphoreType.DMA,
            pltpu.SemaphoreType.DMA,
            pltpu.SemaphoreType.DMA,
            pltpu.SemaphoreType.DMA,
        ],
    )
    def k(table_hbm, gf_hbm, gl_hbm, out_hbm,
          idxf_v, idxl_v, rowsf_v, rowsl_v, semf, seml, semof, semol):
        wid = lax.axis_index("s") * _NC + lax.axis_index("c")
        base = wid * _BPW
        cif = pltpu.async_copy(gf_hbm.at[pl.ds(base, _BPW)], idxf_v, semf)
        cil = pltpu.async_copy(gl_hbm.at[pl.ds(base, _BPW)], idxl_v, seml)
        cif.wait()
        cil.wait()
        step = lax.iota(jnp.int32, _L) * N
        for j in range(_BPW // _L):
            off = (base + j * _L) * N
            sl = pl.ds(j * _L, _L)
            idxf_v[sl] = idxf_v[sl] + step + off
            idxl_v[sl] = idxl_v[sl] + step + off
        h = _BPW // 2
        chunks = [
            (idxf_v.at[pl.ds(0, h)], rowsf_v.at[pl.ds(0, h)],
             out_hbm.at[pl.ds(base, h), pl.ds(0, UNITS)]),
            (idxl_v.at[pl.ds(0, h)], rowsl_v.at[pl.ds(0, h)],
             out_hbm.at[pl.ds(base, h), pl.ds(UNITS, UNITS)]),
            (idxf_v.at[pl.ds(h, h)], rowsf_v.at[pl.ds(h, h)],
             out_hbm.at[pl.ds(base + h, h), pl.ds(0, UNITS)]),
            (idxl_v.at[pl.ds(h, h)], rowsl_v.at[pl.ds(h, h)],
             out_hbm.at[pl.ds(base + h, h), pl.ds(UNITS, UNITS)]),
        ]
        gsems = [semf, seml, semf, seml]
        ssems = [semof, semol, semof, semol]
        gathers = [None] * 4
        scatters = [None] * 4
        gathers[0] = pltpu.async_copy(table_hbm.at[chunks[0][0]],
                                      chunks[0][1], gsems[0])
        gathers[1] = pltpu.async_copy(table_hbm.at[chunks[1][0]],
                                      chunks[1][1], gsems[1])
        for c in range(4):
            gathers[c].wait()
            if c + 2 < 4:
                gathers[c + 2] = pltpu.async_copy(
                    table_hbm.at[chunks[c + 2][0]], chunks[c + 2][1],
                    gsems[c + 2])
            scatters[c] = pltpu.async_copy(chunks[c][1], chunks[c][2],
                                           ssems[c])
        for c in range(4):
            scatters[c].wait()

    return k(table, first_ids, last_ids)


_BM = 2048


def _proj_body(step_ref, cat_ref, fc_ref, wph_ref, w_ref, o_ref):
    use_ph = step_ref[0] == 1
    cat = jnp.where(use_ph,
                    jnp.broadcast_to(wph_ref[...], (_BM, 2 * UNITS)),
                    cat_ref[...])
    acc = jnp.dot(cat, w_ref[...], preferred_element_type=jnp.float32)
    o_ref[...] = fc_ref[...] + acc


def _tc_project(step_arr, cat_rows, fixed, wph, w):
    grid = (B // _BM,)
    cat_spec = pl.BlockSpec((_BM, 2 * UNITS), lambda i: (i, 0))
    row_spec = pl.BlockSpec((_BM, UNITS), lambda i: (i, 0))
    return pl.pallas_call(
        _proj_body,
        grid=grid,
        in_specs=[
            pl.BlockSpec(memory_space=pltpu.SMEM),
            cat_spec, row_spec,
            pl.BlockSpec((1, 2 * UNITS), lambda i: (0, 0)),
            pl.BlockSpec((2 * UNITS, UNITS), lambda i: (0, 0)),
        ],
        out_specs=row_spec,
        out_shape=jax.ShapeDtypeStruct((B, UNITS), jnp.float32),
    )(step_arr, cat_rows, fixed, wph, w)


def kernel(node_embed, fixed_context, first_node, last_node, step_count,
           W_context_placeholder, W_dense):
    table = node_embed.reshape(B * N, UNITS)
    first_ids = first_node.reshape(B).astype(jnp.int32)
    last_ids = last_node.reshape(B).astype(jnp.int32)

    cat_rows = _sc_gather(table, first_ids, last_ids)

    step_arr = jnp.asarray(step_count, jnp.int32).reshape(1)
    wph = W_context_placeholder.reshape(1, 2 * UNITS)
    fixed = fixed_context.reshape(B, UNITS)

    out = _tc_project(step_arr, cat_rows, fixed, wph, W_dense)
    return out.reshape(B, 1, UNITS)

# --- scband reference (transcript-rebuilt; emitter-appended) ---
"""Pipeline reference for scband-context-embedding-75196287418865 (READ-ONLY COPY).

The authoritative reference and input builder live on the scoring server;
editing this copy changes nothing except your own understanding.
"""

import jax, jax.numpy as jnp
import numpy as np

UNITS = 128
B = 4096
N = 200

def setup_inputs(seed: int = 0) -> dict:
    key = jax.random.key(seed)
    k1, k2, k3, k4, k5, k6 = jax.random.split(key, 6)
    node_embed = jax.random.normal(k1, (B, N, UNITS), dtype=jnp.float32)
    fixed_context = jax.random.normal(k2, (B, 1, UNITS), dtype=jnp.float32)
    first_node = jax.random.randint(k3, (B, 1), 0, N)
    last_node = jax.random.randint(k4, (B, 1), 0, N)
    step_count = 5
    W_context_placeholder = jax.random.uniform(k5, (2 * UNITS,), minval=-1.0, maxval=1.0, dtype=jnp.float32)
    W_dense = jax.random.normal(k6, (2 * UNITS, UNITS), dtype=jnp.float32) * 0.05
    return {"node_embed": node_embed, "fixed_context": fixed_context, "first_node": first_node, "last_node": last_node, "step_count": step_count, "W_context_placeholder": W_context_placeholder, "W_dense": W_dense}


def reference(node_embed, fixed_context, first_node, last_node, step_count, W_context_placeholder, W_dense):
    Bsz = node_embed.shape[0]
    u = node_embed.shape[2]
    u2 = W_context_placeholder.shape[0]
    placeholder_branch = jnp.broadcast_to(W_context_placeholder[None, None, :], (Bsz, 1, u2))
    idx_f = jnp.broadcast_to(first_node[:, :, None], (Bsz, 1, u))
    idx_l = jnp.broadcast_to(last_node[:, :, None], (Bsz, 1, u))
    first_embed = jnp.take_along_axis(node_embed, idx_f, axis=1)
    last_embed = jnp.take_along_axis(node_embed, idx_l, axis=1)
    gather_branch = jnp.concatenate([first_embed, last_embed], axis=-1)
    first_last = jnp.where(step_count == 1, placeholder_branch, gather_branch)
    context_embed = fixed_context + first_last @ W_dense
    return context_embed

if __name__ == "__main__":
    import jax
    _d = setup_inputs()
    print(jax.jit(kernel)(*tuple(_d.values())))

</pallas_src>

<mosaic_0001>
#map = affine_map<(d0, d1) -> (0, 0)>
#map1 = affine_map<(d0, d1) -> (0)>
module attributes {stable_mosaic.version = 14 : i64} {
  func.func @k(%arg0: i32, %arg1: i32, %arg2: memref<819200x128xf32, #tpu.memory_space<hbm>>, %arg3: memref<4096xi32, #tpu.memory_space<hbm>>, %arg4: memref<4096xi32, #tpu.memory_space<hbm>>, %arg5: memref<4096x256xf32, #tpu.memory_space<hbm>>, %arg6: memref<128xi32, #tpu.memory_space<vmem>>, %arg7: memref<128xi32, #tpu.memory_space<vmem>>, %arg8: memref<128x128xf32, #tpu.memory_space<vmem>>, %arg9: memref<128x128xf32, #tpu.memory_space<vmem>>, %arg10: memref<!tpu.dma_semaphore, #tpu.memory_space<semaphore_mem>>, %arg11: memref<!tpu.dma_semaphore, #tpu.memory_space<semaphore_mem>>, %arg12: memref<!tpu.dma_semaphore, #tpu.memory_space<semaphore_mem>>, %arg13: memref<!tpu.dma_semaphore, #tpu.memory_space<semaphore_mem>>) attributes {dimension_semantics = [#tpu.dimension_semantics<core_parallel>, #tpu.dimension_semantics<subcore_parallel>], iteration_bounds = array<i64: 2, 16>, scalar_prefetch = 0 : i64, scratch_operands = 8 : i64, tpu.core_type = #tpu.core_type<sc_vector_subcore>, window_params = [{transform_indices = #map}, {transform_indices = #map1}, {transform_indices = #map1}, {transform_indices = #map}]} {
    %mul3A = arith.constant 2 : i32
    %mul3A_0 = arith.muli %arg1, %mul3A : i32
    %add3A = arith.addi %mul3A_0, %arg0 : i32
    %mul3A_1 = arith.constant 128 : i32
    %mul3A_2 = arith.muli %add3A, %mul3A_1 : i32
    %dma_start3A = tpu.memref_slice %arg3[%mul3A_2] : memref<4096xi32, #tpu.memory_space<hbm>> -> memref<128xi32, #tpu.memory_space<hbm>>
    %dma_start3A_3 = tpu.memref_slice %arg3[%mul3A_2] : memref<4096xi32, #tpu.memory_space<hbm>> -> memref<128xi32, #tpu.memory_space<hbm>>
    tpu.enqueue_dma source(%dma_start3A_3 : memref<128xi32, #tpu.memory_space<hbm>>) target(%arg6 : memref<128xi32, #tpu.memory_space<vmem>>) target_semaphore(%arg10 : memref<!tpu.dma_semaphore, #tpu.memory_space<semaphore_mem>>)
    %dma_start3A_4 = tpu.memref_slice %arg4[%mul3A_2] : memref<4096xi32, #tpu.memory_space<hbm>> -> memref<128xi32, #tpu.memory_space<hbm>>
    %dma_start3A_5 = tpu.memref_slice %arg4[%mul3A_2] : memref<4096xi32, #tpu.memory_space<hbm>> -> memref<128xi32, #tpu.memory_space<hbm>>
    tpu.enqueue_dma source(%dma_start3A_5 : memref<128xi32, #tpu.memory_space<hbm>>) target(%arg7 : memref<128xi32, #tpu.memory_space<vmem>>) target_semaphore(%arg11 : memref<!tpu.dma_semaphore, #tpu.memory_space<semaphore_mem>>)
    %dma_wait3A = tpu.memref_slice %arg3[%mul3A_2] : memref<4096xi32, #tpu.memory_space<hbm>> -> memref<128xi32, #tpu.memory_space<hbm>>
    %dma_wait3A_6 = tpu.memref_slice %arg3[%mul3A_2] : memref<4096xi32, #tpu.memory_space<hbm>> -> memref<128xi32, #tpu.memory_space<hbm>>
    tpu.wait_dma2 semaphore(%arg10 : memref<!tpu.dma_semaphore, #tpu.memory_space<semaphore_mem>>) src(%dma_wait3A_6 : memref<128xi32, #tpu.memory_space<hbm>>) dst(%arg6 : memref<128xi32, #tpu.memory_space<vmem>>)
    %dma_wait3A_7 = tpu.memref_slice %arg4[%mul3A_2] : memref<4096xi32, #tpu.memory_space<hbm>> -> memref<128xi32, #tpu.memory_space<hbm>>
    %dma_wait3A_8 = tpu.memref_slice %arg4[%mul3A_2] : memref<4096xi32, #tpu.memory_space<hbm>> -> memref<128xi32, #tpu.memory_space<hbm>>
    tpu.wait_dma2 semaphore(%arg11 : memref<!tpu.dma_semaphore, #tpu.memory_space<semaphore_mem>>) src(%dma_wait3A_8 : memref<128xi32, #tpu.memory_space<hbm>>) dst(%arg7 : memref<128xi32, #tpu.memory_space<vmem>>)
    %iota3A = tpu.iota {dimensions = array<i32: 0>} : vector<16xi32>
    %mul3A_9 = arith.constant 200 : i32
    %mul3A_10 = vector.broadcast %mul3A_9 : i32 to vector<16xi32>
    %mul3A_11 = arith.muli %iota3A, %mul3A_10 : vector<16xi32>
    %add3A_12 = arith.constant 0 : i32
    %add3A_13 = arith.addi %mul3A_2, %add3A_12 : i32
    %mul3A_14 = arith.constant 200 : i32
    %mul3A_15 = arith.muli %add3A_13, %mul3A_14 : i32
    %get3A = arith.constant 0 : index
    %get3A_16 = tpu.vector_load %arg6[%get3A] {strides = array<i32>} : memref<128xi32, #tpu.memory_space<vmem>>, vector<16xi32>,
    %get3A_17 = vector.shape_cast %get3A_16 : vector<16xi32> to vector<16xi32>
    %add3A_18 = arith.addi %get3A_17, %mul3A_11 : vector<16xi32>
    %add3A_19 = vector.broadcast %mul3A_15 : i32 to vector<16xi32>
    %add3A_20 = arith.addi %add3A_18, %add3A_19 : vector<16xi32>
    %swap3A = arith.constant 0 : index
    %swap3A_21 = tpu.vector_load %arg6[%swap3A] {strides = array<i32>} : memref<128xi32, #tpu.memory_space<vmem>>, vector<16xi32>,
    %swap3A_22 = vector.shape_cast %swap3A_21 : vector<16xi32> to vector<16xi32>
    %swap3A_23 = vector.shape_cast %add3A_20 : vector<16xi32> to vector<16xi32>
    tpu.vector_store %arg6[%swap3A], %swap3A_23 {strides = array<i32>} : memref<128xi32, #tpu.memory_space<vmem>>, vector<16xi32>,
    %get3A_24 = arith.constant 0 : index
    %get3A_25 = tpu.vector_load %arg7[%get3A_24] {strides = array<i32>} : memref<128xi32, #tpu.memory_space<vmem>>, vector<16xi32>,
    %get3A_26 = vector.shape_cast %get3A_25 : vector<16xi32> to vector<16xi32>
    %add3A_27 = arith.addi %get3A_26, %mul3A_11 : vector<16xi32>
    %add3A_28 = vector.broadcast %mul3A_15 : i32 to vector<16xi32>
    %add3A_29 = arith.addi %add3A_27, %add3A_28 : vector<16xi32>
    %swap3A_30 = arith.constant 0 : index
    %swap3A_31 = tpu.vector_load %arg7[%swap3A_30] {strides = array<i32>} : memref<128xi32, #tpu.memory_space<vmem>>, vector<16xi32>,
    %swap3A_32 = vector.shape_cast %swap3A_31 : vector<16xi32> to vector<16xi32>
    %swap3A_33 = vector.shape_cast %add3A_29 : vector<16xi32> to vector<16xi32>
    tpu.vector_store %arg7[%swap3A_30], %swap3A_33 {strides = array<i32>} : memref<128xi32, #tpu.memory_space<vmem>>, vector<16xi32>,
    %add3A_34 = arith.constant 16 : i32
    %add3A_35 = arith.addi %mul3A_2, %add3A_34 : i32
    %mul3A_36 = arith.constant 200 : i32
    %mul3A_37 = arith.muli %add3A_35, %mul3A_36 : i32
    %get3A_38 = arith.constant 16 : index
    %get3A_39 = tpu.vector_load %arg6[%get3A_38] {strides = array<i32>} : memref<128xi32, #tpu.memory_space<vmem>>, vector<16xi32>,
    %get3A_40 = vector.shape_cast %get3A_39 : vector<16xi32> to vector<16xi32>
    %add3A_41 = arith.addi %get3A_40, %mul3A_11 : vector<16xi32>
    %add3A_42 = vector.broadcast %mul3A_37 : i32 to vector<16xi32>
    %add3A_43 = arith.addi %add3A_41, %add3A_42 : vector<16xi32>
    %swap3A_44 = arith.constant 16 : index
    %swap3A_45 = tpu.vector_load %arg6[%swap3A_44] {strides = array<i32>} : memref<128xi32, #tpu.memory_space<vmem>>, vector<16xi32>,
    %swap3A_46 = vector.shape_cast %swap3A_45 : vector<16xi32> to vector<16xi32>
    %swap3A_47 = vector.shape_cast %add3A_43 : vector<16xi32> to vector<16xi32>
    tpu.vector_store %arg6[%swap3A_44], %swap3A_47 {strides = array<i32>} : memref<128xi32, #tpu.memory_space<vmem>>, vector<16xi32>,
    %get3A_48 = arith.constant 16 : index
    %get3A_49 = tpu.vector_load %arg7[%get3A_48] {strides = array<i32>} : memref<128xi32, #tpu.memory_space<vmem>>, vector<16xi32>,
    %get3A_50 = vector.shape_cast %get3A_49 : vector<16xi32> to vector<16xi32>
    %add3A_51 = arith.addi %get3A_50, %mul3A_11 : vector<16xi32>
    %add3A_52 = vector.broadcast %mul3A_37 : i32 to vector<16xi32>
    %add3A_53 = arith.addi %add3A_51, %add3A_52 : vector<16xi32>
    %swap3A_54 = arith.constant 16 : index
    %swap3A_55 = tpu.vector_load %arg7[%swap3A_54] {strides = array<i32>} : memref<128xi32, #tpu.memory_space<vmem>>, vector<16xi32>,
    %swap3A_56 = vector.shape_cast %swap3A_55 : vector<16xi32> to vector<16xi32>
    %swap3A_57 = vector.shape_cast %add3A_53 : vector<16xi32> to vector<16xi32>
    tpu.vector_store %arg7[%swap3A_54], %swap3A_57 {strides = array<i32>} : memref<128xi32, #tpu.memory_space<vmem>>, vector<16xi32>,
    %add3A_58 = arith.constant 32 : i32
    %add3A_59 = arith.addi %mul3A_2, %add3A_58 : i32
    %mul3A_60 = arith.constant 200 : i32
    %mul3A_61 = arith.muli %add3A_59, %mul3A_60 : i32
    %get3A_62 = arith.constant 32 : index
    %get3A_63 = tpu.vector_load %arg6[%get3A_62] {strides = array<i32>} : memref<128xi32, #tpu.memory_space<vmem>>, vector<16xi32>,
    %get3A_64 = vector.shape_cast %get3A_63 : vector<16xi32> to vector<16xi32>
    %add3A_65 = arith.addi %get3A_64, %mul3A_11 : vector<16xi32>
    %add3A_66 = vector.broadcast %mul3A_61 : i32 to vector<16xi32>
    %add3A_67 = arith.addi %add3A_65, %add3A_66 : vector<16xi32>
    %swap3A_68 = arith.constant 32 : index
    %swap3A_69 = tpu.vector_load %arg6[%swap3A_68] {strides = array<i32>} : memref<128xi32, #tpu.memory_space<vmem>>, vector<16xi32>,
    %swap3A_70 = vector.shape_cast %swap3A_69 : vector<16xi32> to vector<16xi32>
    %swap3A_71 = vector.shape_cast %add3A_67 : vector<16xi32> to vector<16xi32>
    tpu.vector_store %arg6[%swap3A_68], %swap3A_71 {strides = array<i32>} : memref<128xi32, #tpu.memory_space<vmem>>, vector<16xi32>,
    %get3A_72 = arith.constant 32 : index
    %get3A_73 = tpu.vector_load %arg7[%get3A_72] {strides = array<i32>} : memref<128xi32, #tpu.memory_space<vmem>>, vector<16xi32>,
    %get3A_74 = vector.shape_cast %get3A_73 : vector<16xi32> to vector<16xi32>
    %add3A_75 = arith.addi %get3A_74, %mul3A_11 : vector<16xi32>
    %add3A_76 = vector.broadcast %mul3A_61 : i32 to vector<16xi32>
    %add3A_77 = arith.addi %add3A_75, %add3A_76 : vector<16xi32>
    %swap3A_78 = arith.constant 32 : index
    %swap3A_79 = tpu.vector_load %arg7[%swap3A_78] {strides = array<i32>} : memref<128xi32, #tpu.memory_space<vmem>>, vector<16xi32>,
    %swap3A_80 = vector.shape_cast %swap3A_79 : vector<16xi32> to vector<16xi32>
    %swap3A_81 = vector.shape_cast %add3A_77 : vector<16xi32> to vector<16xi32>
    tpu.vector_store %arg7[%swap3A_78], %swap3A_81 {strides = array<i32>} : memref<128xi32, #tpu.memory_space<vmem>>, vector<16xi32>,
    %add3A_82 = arith.constant 48 : i32
    %add3A_83 = arith.addi %mul3A_2, %add3A_82 : i32
    %mul3A_84 = arith.constant 200 : i32
    %mul3A_85 = arith.muli %add3A_83, %mul3A_84 : i32
    %get3A_86 = arith.constant 48 : index
    %get3A_87 = tpu.vector_load %arg6[%get3A_86] {strides = array<i32>} : memref<128xi32, #tpu.memory_space<vmem>>, vector<16xi32>,
    %get3A_88 = vector.shape_cast %get3A_87 : vector<16xi32> to vector<16xi32>
    %add3A_89 = arith.addi %get3A_88, %mul3A_11 : vector<16xi32>
    %add3A_90 = vector.broadcast %mul3A_85 : i32 to vector<16xi32>
    %add3A_91 = arith.addi %add3A_89, %add3A_90 : vector<16xi32>
    %swap3A_92 = arith.constant 48 : index
    %swap3A_93 = tpu.vector_load %arg6[%swap3A_92] {strides = array<i32>} : memref<128xi32, #tpu.memory_space<vmem>>, vector<16xi32>,
    %swap3A_94 = vector.shape_cast %swap3A_93 : vector<16xi32> to vector<16xi32>
    %swap3A_95 = vector.shape_cast %add3A_91 : vector<16xi32> to vector<16xi32>
    tpu.vector_store %arg6[%swap3A_92], %swap3A_95 {strides = array<i32>} : memref<128xi32, #tpu.memory_space<vmem>>, vector<16xi32>,
    %get3A_96 = arith.constant 48 : index
    %get3A_97 = tpu.vector_load %arg7[%get3A_96] {strides = array<i32>} : memref<128xi32, #tpu.memory_space<vmem>>, vector<16xi32>,
    %get3A_98 = vector.shape_cast %get3A_97 : vector<16xi32> to vector<16xi32>
    %add3A_99 = arith.addi %get3A_98, %mul3A_11 : vector<16xi32>
    %add3A_100 = vector.broadcast %mul3A_85 : i32 to vector<16xi32>
    %add3A_101 = arith.addi %add3A_99, %add3A_100 : vector<16xi32>
    %swap3A_102 = arith.constant 48 : index
    %swap3A_103 = tpu.vector_load %arg7[%swap3A_102] {strides = array<i32>} : memref<128xi32, #tpu.memory_space<vmem>>, vector<16xi32>,
    %swap3A_104 = vector.shape_cast %swap3A_103 : vector<16xi32> to vector<16xi32>
    %swap3A_105 = vector.shape_cast %add3A_101 : vector<16xi32> to vector<16xi32>
    tpu.vector_store %arg7[%swap3A_102], %swap3A_105 {strides = array<i32>} : memref<128xi32, #tpu.memory_space<vmem>>, vector<16xi32>,
    %add3A_106 = arith.constant 64 : i32
    %add3A_107 = arith.addi %mul3A_2, %add3A_106 : i32
    %mul3A_108 = arith.constant 200 : i32
    %mul3A_109 = arith.muli %add3A_107, %mul3A_108 : i32
    %get3A_110 = arith.constant 64 : index
    %get3A_111 = tpu.vector_load %arg6[%get3A_110] {strides = array<i32>} : memref<128xi32, #tpu.memory_space<vmem>>, vector<16xi32>,
    %get3A_112 = vector.shape_cast %get3A_111 : vector<16xi32> to vector<16xi32>
    %add3A_113 = arith.addi %get3A_112, %mul3A_11 : vector<16xi32>
    %add3A_114 = vector.broadcast %mul3A_109 : i32 to vector<16xi32>
    %add3A_115 = arith.addi %add3A_113, %add3A_114 : vector<16xi32>
    %swap3A_116 = arith.constant 64 : index
    %swap3A_117 = tpu.vector_load %arg6[%swap3A_116] {strides = array<i32>} : memref<128xi32, #tpu.memory_space<vmem>>, vector<16xi32>,
    %swap3A_118 = vector.shape_cast %swap3A_117 : vector<16xi32> to vector<16xi32>
    %swap3A_119 = vector.shape_cast %add3A_115 : vector<16xi32> to vector<16xi32>
    tpu.vector_store %arg6[%swap3A_116], %swap3A_119 {strides = array<i32>} : memref<128xi32, #tpu.memory_space<vmem>>, vector<16xi32>,
    %get3A_120 = arith.constant 64 : index
    %get3A_121 = tpu.vector_load %arg7[%get3A_120] {strides = array<i32>} : memref<128xi32, #tpu.memory_space<vmem>>, vector<16xi32>,
    %get3A_122 = vector.shape_cast %get3A_121 : vector<16xi32> to vector<16xi32>
    %add3A_123 = arith.addi %get3A_122, %mul3A_11 : vector<16xi32>
    %add3A_124 = vector.broadcast %mul3A_109 : i32 to vector<16xi32>
    %add3A_125 = arith.addi %add3A_123, %add3A_124 : vector<16xi32>
    %swap3A_126 = arith.constant 64 : index
    %swap3A_127 = tpu.vector_load %arg7[%swap3A_126] {strides = array<i32>} : memref<128xi32, #tpu.memory_space<vmem>>, vector<16xi32>,
    %swap3A_128 = vector.shape_cast %swap3A_127 : vector<16xi32> to vector<16xi32>
    %swap3A_129 = vector.shape_cast %add3A_125 : vector<16xi32> to vector<16xi32>
    tpu.vector_store %arg7[%swap3A_126], %swap3A_129 {strides = array<i32>} : memref<128xi32, #tpu.memory_space<vmem>>, vector<16xi32>,
    %add3A_130 = arith.constant 80 : i32
    %add3A_131 = arith.addi %mul3A_2, %add3A_130 : i32
    %mul3A_132 = arith.constant 200 : i32
    %mul3A_133 = arith.muli %add3A_131, %mul3A_132 : i32
    %get3A_134 = arith.constant 80 : index
    %get3A_135 = tpu.vector_load %arg6[%get3A_134] {strides = array<i32>} : memref<128xi32, #tpu.memory_space<vmem>>, vector<16xi32>,
    %get3A_136 = vector.shape_cast %get3A_135 : vector<16xi32> to vector<16xi32>
    %add3A_137 = arith.addi %get3A_136, %mul3A_11 : vector<16xi32>
    %add3A_138 = vector.broadcast %mul3A_133 : i32 to vector<16xi32>
    %add3A_139 = arith.addi %add3A_137, %add3A_138 : vector<16xi32>
    %swap3A_140 = arith.constant 80 : index
    %swap3A_141 = tpu.vector_load %arg6[%swap3A_140] {strides = array<i32>} : memref<128xi32, #tpu.memory_space<vmem>>, vector<16xi32>,
    %swap3A_142 = vector.shape_cast %swap3A_141 : vector<16xi32> to vector<16xi32>
    %swap3A_143 = vector.shape_cast %add3A_139 : vector<16xi32> to vector<16xi32>
    tpu.vector_store %arg6[%swap3A_140], %swap3A_143 {strides = array<i32>} : memref<128xi32, #tpu.memory_space<vmem>>, vector<16xi32>,
    %get3A_144 = arith.constant 80 : index
    %get3A_145 = tpu.vector_load %arg7[%get3A_144] {strides = array<i32>} : memref<128xi32, #tpu.memory_space<vmem>>, vector<16xi32>,
    %get3A_146 = vector.shape_cast %get3A_145 : vector<16xi32> to vector<16xi32>
    %add3A_147 = arith.addi %get3A_146, %mul3A_11 : vector<16xi32>
    %add3A_148 = vector.broadcast %mul3A_133 : i32 to vector<16xi32>
    %add3A_149 = arith.addi %add3A_147, %add3A_148 : vector<16xi32>
    %swap3A_150 = arith.constant 80 : index
    %swap3A_151 = tpu.vector_load %arg7[%swap3A_150] {strides = array<i32>} : memref<128xi32, #tpu.memory_space<vmem>>, vector<16xi32>,
    %swap3A_152 = vector.shape_cast %swap3A_151 : vector<16xi32> to vector<16xi32>
    %swap3A_153 = vector.shape_cast %add3A_149 : vector<16xi32> to vector<16xi32>
    tpu.vector_store %arg7[%swap3A_150], %swap3A_153 {strides = array<i32>} : memref<128xi32, #tpu.memory_space<vmem>>, vector<16xi32>,
    %add3A_154 = arith.constant 96 : i32
    %add3A_155 = arith.addi %mul3A_2, %add3A_154 : i32
    %mul3A_156 = arith.constant 200 : i32
    %mul3A_157 = arith.muli %add3A_155, %mul3A_156 : i32
    %get3A_158 = arith.constant 96 : index
    %get3A_159 = tpu.vector_load %arg6[%get3A_158] {strides = array<i32>} : memref<128xi32, #tpu.memory_space<vmem>>, vector<16xi32>,
    %get3A_160 = vector.shape_cast %get3A_159 : vector<16xi32> to vector<16xi32>
    %add3A_161 = arith.addi %get3A_160, %mul3A_11 : vector<16xi32>
    %add3A_162 = vector.broadcast %mul3A_157 : i32 to vector<16xi32>
    %add3A_163 = arith.addi %add3A_161, %add3A_162 : vector<16xi32>
    %swap3A_164 = arith.constant 96 : index
    %swap3A_165 = tpu.vector_load %arg6[%swap3A_164] {strides = array<i32>} : memref<128xi32, #tpu.memory_space<vmem>>, vector<16xi32>,
    %swap3A_166 = vector.shape_cast %swap3A_165 : vector<16xi32> to vector<16xi32>
    %swap3A_167 = vector.shape_cast %add3A_163 : vector<16xi32> to vector<16xi32>
    tpu.vector_store %arg6[%swap3A_164], %swap3A_167 {strides = array<i32>} : memref<128xi32, #tpu.memory_space<vmem>>, vector<16xi32>,
    %get3A_168 = arith.constant 96 : index
    %get3A_169 = tpu.vector_load %arg7[%get3A_168] {strides = array<i32>} : memref<128xi32, #tpu.memory_space<vmem>>, vector<16xi32>,
    %get3A_170 = vector.shape_cast %get3A_169 : vector<16xi32> to vector<16xi32>
    %add3A_171 = arith.addi %get3A_170, %mul3A_11 : vector<16xi32>
    %add3A_172 = vector.broadcast %mul3A_157 : i32 to vector<16xi32>
    %add3A_173 = arith.addi %add3A_171, %add3A_172 : vector<16xi32>
    %swap3A_174 = arith.constant 96 : index
    %swap3A_175 = tpu.vector_load %arg7[%swap3A_174] {strides = array<i32>} : memref<128xi32, #tpu.memory_space<vmem>>, vector<16xi32>,
    %swap3A_176 = vector.shape_cast %swap3A_175 : vector<16xi32> to vector<16xi32>
    %swap3A_177 = vector.shape_cast %add3A_173 : vector<16xi32> to vector<16xi32>
    tpu.vector_store %arg7[%swap3A_174], %swap3A_177 {strides = array<i32>} : memref<128xi32, #tpu.memory_space<vmem>>, vector<16xi32>,
    %add3A_178 = arith.constant 112 : i32
    %add3A_179 = arith.addi %mul3A_2, %add3A_178 : i32
    %mul3A_180 = arith.constant 200 : i32
    %mul3A_181 = arith.muli %add3A_179, %mul3A_180 : i32
    %get3A_182 = arith.constant 112 : index
    %get3A_183 = tpu.vector_load %arg6[%get3A_182] {strides = array<i32>} : memref<128xi32, #tpu.memory_space<vmem>>, vector<16xi32>,
    %get3A_184 = vector.shape_cast %get3A_183 : vector<16xi32> to vector<16xi32>
    %add3A_185 = arith.addi %get3A_184, %mul3A_11 : vector<16xi32>
    %add3A_186 = vector.broadcast %mul3A_181 : i32 to vector<16xi32>
    %add3A_187 = arith.addi %add3A_185, %add3A_186 : vector<16xi32>
    %swap3A_188 = arith.constant 112 : index
    %swap3A_189 = tpu.vector_load %arg6[%swap3A_188] {strides = array<i32>} : memref<128xi32, #tpu.memory_space<vmem>>, vector<16xi32>,
    %swap3A_190 = vector.shape_cast %swap3A_189 : vector<16xi32> to vector<16xi32>
    %swap3A_191 = vector.shape_cast %add3A_187 : vector<16xi32> to vector<16xi32>
    tpu.vector_store %arg6[%swap3A_188], %swap3A_191 {strides = array<i32>} : memref<128xi32, #tpu.memory_space<vmem>>, vector<16xi32>,
    %get3A_192 = arith.constant 112 : index
    %get3A_193 = tpu.vector_load %arg7[%get3A_192] {strides = array<i32>} : memref<128xi32, #tpu.memory_space<vmem>>, vector<16xi32>,
    %get3A_194 = vector.shape_cast %get3A_193 : vector<16xi32> to vector<16xi32>
    %add3A_195 = arith.addi %get3A_194, %mul3A_11 : vector<16xi32>
    %add3A_196 = vector.broadcast %mul3A_181 : i32 to vector<16xi32>
    %add3A_197 = arith.addi %add3A_195, %add3A_196 : vector<16xi32>
    %swap3A_198 = arith.constant 112 : index
    %swap3A_199 = tpu.vector_load %arg7[%swap3A_198] {strides = array<i32>} : memref<128xi32, #tpu.memory_space<vmem>>, vector<16xi32>,
    %swap3A_200 = vector.shape_cast %swap3A_199 : vector<16xi32> to vector<16xi32>
    %swap3A_201 = vector.shape_cast %add3A_197 : vector<16xi32> to vector<16xi32>
    tpu.vector_store %arg7[%swap3A_198], %swap3A_201 {strides = array<i32>} : memref<128xi32, #tpu.memory_space<vmem>>, vector<16xi32>,
    %add3A_202 = arith.constant 64 : i32
    %add3A_203 = arith.addi %mul3A_2, %add3A_202 : i32
    %add3A_204 = arith.constant 64 : i32
    %add3A_205 = arith.addi %mul3A_2, %add3A_204 : i32
    %dma_start3A_206 = arith.constant 0 : i32
    %dma_start3A_207 = arith.constant 0 : i32
    %dma_start3A_208 = tpu.memref_slice %arg8[%dma_start3A_206, %dma_start3A_207] : memref<128x128xf32, #tpu.memory_space<vmem>> -> memref<64x128xf32, #tpu.memory_space<vmem>>
    %dma_start3A_209 = arith.constant 0 : i32
    %dma_start3A_210 = tpu.memref_slice %arg6[%dma_start3A_209] : memref<128xi32, #tpu.memory_space<vmem>> -> memref<64xi32, #tpu.memory_space<vmem>>
    %dma_start3A_211 = arith.constant 0 : i32
    %dma_start3A_212 = arith.constant 0 : i32
    %dma_start3A_213 = tpu.memref_slice %arg2[%dma_start3A_211, %dma_start3A_212] : memref<819200x128xf32, #tpu.memory_space<hbm>> -> memref<819200x128xf32, #tpu.memory_space<hbm>>
    tpu.enqueue_indirect_dma source(%dma_start3A_213 : memref<819200x128xf32, #tpu.memory_space<hbm>>) target(%dma_start3A_208 : memref<64x128xf32, #tpu.memory_space<vmem>>) offsets(%dma_start3A_210 : memref<64xi32, #tpu.memory_space<vmem>>) semaphore(%arg10 : memref<!tpu.dma_semaphore, #tpu.memory_space<semaphore_mem>>)
    %dma_start3A_214 = arith.constant 0 : i32
    %dma_start3A_215 = arith.constant 0 : i32
    %dma_start3A_216 = tpu.memref_slice %arg9[%dma_start3A_214, %dma_start3A_215] : memref<128x128xf32, #tpu.memory_space<vmem>> -> memref<64x128xf32, #tpu.memory_space<vmem>>
    %dma_start3A_217 = arith.constant 0 : i32
    %dma_start3A_218 = tpu.memref_slice %arg7[%dma_start3A_217] : memref<128xi32, #tpu.memory_space<vmem>> -> memref<64xi32, #tpu.memory_space<vmem>>
    %dma_start3A_219 = arith.constant 0 : i32
    %dma_start3A_220 = arith.constant 0 : i32
    %dma_start3A_221 = tpu.memref_slice %arg2[%dma_start3A_219, %dma_start3A_220] : memref<819200x128xf32, #tpu.memory_space<hbm>> -> memref<819200x128xf32, #tpu.memory_space<hbm>>
    tpu.enqueue_indirect_dma source(%dma_start3A_221 : memref<819200x128xf32, #tpu.memory_space<hbm>>) target(%dma_start3A_216 : memref<64x128xf32, #tpu.memory_space<vmem>>) offsets(%dma_start3A_218 : memref<64xi32, #tpu.memory_space<vmem>>) semaphore(%arg11 : memref<!tpu.dma_semaphore, #tpu.memory_space<semaphore_mem>>)
    %dma_wait3A_222 = arith.constant 0 : i32
    %dma_wait3A_223 = arith.constant 0 : i32
    %dma_wait3A_224 = tpu.memref_slice %arg8[%dma_wait3A_222, %dma_wait3A_223] : memref<128x128xf32, #tpu.memory_space<vmem>> -> memref<64x128xf32, #tpu.memory_space<vmem>>
    %dma_wait3A_225 = arith.constant 0 : i32
    %dma_wait3A_226 = tpu.memref_slice %arg6[%dma_wait3A_225] : memref<128xi32, #tpu.memory_space<vmem>> -> memref<64xi32, #tpu.memory_space<vmem>>
    %dma_wait3A_227 = arith.constant 0 : i32
    %dma_wait3A_228 = arith.constant 0 : i32
    %dma_wait3A_229 = tpu.memref_slice %arg2[%dma_wait3A_227, %dma_wait3A_228] : memref<819200x128xf32, #tpu.memory_space<hbm>> -> memref<819200x128xf32, #tpu.memory_space<hbm>>
    tpu.wait_indirect_dma semaphore(%arg10 : memref<!tpu.dma_semaphore, #tpu.memory_space<semaphore_mem>>) src(%dma_wait3A_229 : memref<819200x128xf32, #tpu.memory_space<hbm>>) dst(%dma_wait3A_224 : memref<64x128xf32, #tpu.memory_space<vmem>>)
    %dma_start3A_230 = arith.constant 64 : i32
    %dma_start3A_231 = arith.constant 0 : i32
    %dma_start3A_232 = tpu.memref_slice %arg8[%dma_start3A_230, %dma_start3A_231] : memref<128x128xf32, #tpu.memory_space<vmem>> -> memref<64x128xf32, #tpu.memory_space<vmem>>
    %dma_start3A_233 = arith.constant 64 : i32
    %dma_start3A_234 = tpu.memref_slice %arg6[%dma_start3A_233] : memref<128xi32, #tpu.memory_space<vmem>> -> memref<64xi32, #tpu.memory_space<vmem>>
    %dma_start3A_235 = arith.constant 0 : i32
    %dma_start3A_236 = arith.constant 0 : i32
    %dma_start3A_237 = tpu.memref_slice %arg2[%dma_start3A_235, %dma_start3A_236] : memref<819200x128xf32, #tpu.memory_space<hbm>> -> memref<819200x128xf32, #tpu.memory_space<hbm>>
    tpu.enqueue_indirect_dma source(%dma_start3A_237 : memref<819200x128xf32, #tpu.memory_space<hbm>>) target(%dma_start3A_232 : memref<64x128xf32, #tpu.memory_space<vmem>>) offsets(%dma_start3A_234 : memref<64xi32, #tpu.memory_space<vmem>>) semaphore(%arg10 : memref<!tpu.dma_semaphore, #tpu.memory_space<semaphore_mem>>)
    %dma_start3A_238 = arith.constant 0 : i32
    %dma_start3A_239 = arith.constant 0 : i32
    %dma_start3A_240 = tpu.memref_slice %arg8[%dma_start3A_238, %dma_start3A_239] : memref<128x128xf32, #tpu.memory_space<vmem>> -> memref<64x128xf32, #tpu.memory_space<vmem>>
    %dma_start3A_241 = arith.constant 0 : i32
    %dma_start3A_242 = tpu.memref_slice %arg5[%mul3A_2, %dma_start3A_241] : memref<4096x256xf32, #tpu.memory_space<hbm>> -> memref<64x128xf32, #tpu.memory_space<hbm>>
    %dma_start3A_243 = arith.constant 0 : i32
    %dma_start3A_244 = tpu.memref_slice %arg5[%mul3A_2, %dma_start3A_243] : memref<4096x256xf32, #tpu.memory_space<hbm>> -> memref<64x128xf32, #tpu.memory_space<hbm>>
    %dma_start3A_245 = arith.constant 0 : i32
    %dma_start3A_246 = arith.constant 0 : i32
    %dma_start3A_247 = tpu.memref_slice %arg8[%dma_start3A_245, %dma_start3A_246] : memref<128x128xf32, #tpu.memory_space<vmem>> -> memref<64x128xf32, #tpu.memory_space<vmem>>
    tpu.enqueue_dma source(%dma_start3A_247 : memref<64x128xf32, #tpu.memory_space<vmem>>) target(%dma_start3A_244 : memref<64x128xf32, #tpu.memory_space<hbm>>) target_semaphore(%arg12 : memref<!tpu.dma_semaphore, #tpu.memory_space<semaphore_mem>>)
    %dma_wait3A_248 = arith.constant 0 : i32
    %dma_wait3A_249 = arith.constant 0 : i32
    %dma_wait3A_250 = tpu.memref_slice %arg9[%dma_wait3A_248, %dma_wait3A_249] : memref<128x128xf32, #tpu.memory_space<vmem>> -> memref<64x128xf32, #tpu.memory_space<vmem>>
    %dma_wait3A_251 = arith.constant 0 : i32
    %dma_wait3A_252 = tpu.memref_slice %arg7[%dma_wait3A_251] : memref<128xi32, #tpu.memory_space<vmem>> -> memref<64xi32, #tpu.memory_space<vmem>>
    %dma_wait3A_253 = arith.constant 0 : i32
    %dma_wait3A_254 = arith.constant 0 : i32
    %dma_wait3A_255 = tpu.memref_slice %arg2[%dma_wait3A_253, %dma_wait3A_254] : memref<819200x128xf32, #tpu.memory_space<hbm>> -> memref<819200x128xf32, #tpu.memory_space<hbm>>
    tpu.wait_indirect_dma semaphore(%arg11 : memref<!tpu.dma_semaphore, #tpu.memory_space<semaphore_mem>>) src(%dma_wait3A_255 : memref<819200x128xf32, #tpu.memory_space<hbm>>) dst(%dma_wait3A_250 : memref<64x128xf32, #tpu.memory_space<vmem>>)
    %dma_start3A_256 = arith.constant 64 : i32
    %dma_start3A_257 = arith.constant 0 : i32
    %dma_start3A_258 = tpu.memref_slice %arg9[%dma_start3A_256, %dma_start3A_257] : memref<128x128xf32, #tpu.memory_space<vmem>> -> memref<64x128xf32, #tpu.memory_space<vmem>>
    %dma_start3A_259 = arith.constant 64 : i32
    %dma_start3A_260 = tpu.memref_slice %arg7[%dma_start3A_259] : memref<128xi32, #tpu.memory_space<vmem>> -> memref<64xi32, #tpu.memory_space<vmem>>
    %dma_start3A_261 = arith.constant 0 : i32
    %dma_start3A_262 = arith.constant 0 : i32
    %dma_start3A_263 = tpu.memref_slice %arg2[%dma_start3A_261, %dma_start3A_262] : memref<819200x128xf32, #tpu.memory_space<hbm>> -> memref<819200x128xf32, #tpu.memory_space<hbm>>
    tpu.enqueue_indirect_dma source(%dma_start3A_263 : memref<819200x128xf32, #tpu.memory_space<hbm>>) target(%dma_start3A_258 : memref<64x128xf32, #tpu.memory_space<vmem>>) offsets(%dma_start3A_260 : memref<64xi32, #tpu.memory_space<vmem>>) semaphore(%arg11 : memref<!tpu.dma_semaphore, #tpu.memory_space<semaphore_mem>>)
    %dma_start3A_264 = arith.constant 0 : i32
    %dma_start3A_265 = arith.constant 0 : i32
    %dma_start3A_266 = tpu.memref_slice %arg9[%dma_start3A_264, %dma_start3A_265] : memref<128x128xf32, #tpu.memory_space<vmem>> -> memref<64x128xf32, #tpu.memory_space<vmem>>
    %dma_start3A_267 = arith.constant 128 : i32
    %dma_start3A_268 = tpu.memref_slice %arg5[%mul3A_2, %dma_start3A_267] : memref<4096x256xf32, #tpu.memory_space<hbm>> -> memref<64x128xf32, #tpu.memory_space<hbm>>
    %dma_start3A_269 = arith.constant 128 : i32
    %dma_start3A_270 = tpu.memref_slice %arg5[%mul3A_2, %dma_start3A_269] : memref<4096x256xf32, #tpu.memory_space<hbm>> -> memref<64x128xf32, #tpu.memory_space<hbm>>
    %dma_start3A_271 = arith.constant 0 : i32
    %dma_start3A_272 = arith.constant 0 : i32
    %dma_start3A_273 = tpu.memref_slice %arg9[%dma_start3A_271, %dma_start3A_272] : memref<128x128xf32, #tpu.memory_space<vmem>> -> memref<64x128xf32, #tpu.memory_space<vmem>>
    tpu.enqueue_dma source(%dma_start3A_273 : memref<64x128xf32, #tpu.memory_space<vmem>>) target(%dma_start3A_270 : memref<64x128xf32, #tpu.memory_space<hbm>>) target_semaphore(%arg13 : memref<!tpu.dma_semaphore, #tpu.memory_space<semaphore_mem>>)
    %dma_wait3A_274 = arith.constant 64 : i32
    %dma_wait3A_275 = arith.constant 0 : i32
    %dma_wait3A_276 = tpu.memref_slice %arg8[%dma_wait3A_274, %dma_wait3A_275] : memref<128x128xf32, #tpu.memory_space<vmem>> -> memref<64x128xf32, #tpu.memory_space<vmem>>
    %dma_wait3A_277 = arith.constant 64 : i32
    %dma_wait3A_278 = tpu.memref_slice %arg6[%dma_wait3A_277] : memref<128xi32, #tpu.memory_space<vmem>> -> memref<64xi32, #tpu.memory_space<vmem>>
    %dma_wait3A_279 = arith.constant 0 : i32
    %dma_wait3A_280 = arith.constant 0 : i32
    %dma_wait3A_281 = tpu.memref_slice %arg2[%dma_wait3A_279, %dma_wait3A_280] : memref<819200x128xf32, #tpu.memory_space<hbm>> -> memref<819200x128xf32, #tpu.memory_space<hbm>>
    tpu.wait_indirect_dma semaphore(%arg10 : memref<!tpu.dma_semaphore, #tpu.memory_space<semaphore_mem>>) src(%dma_wait3A_281 : memref<819200x128xf32, #tpu.memory_space<hbm>>) dst(%dma_wait3A_276 : memref<64x128xf32, #tpu.memory_space<vmem>>)
    %dma_start3A_282 = arith.constant 64 : i32
    %dma_start3A_283 = arith.constant 0 : i32
    %dma_start3A_284 = tpu.memref_slice %arg8[%dma_start3A_282, %dma_start3A_283] : memref<128x128xf32, #tpu.memory_space<vmem>> -> memref<64x128xf32, #tpu.memory_space<vmem>>
    %dma_start3A_285 = arith.constant 0 : i32
    %dma_start3A_286 = tpu.memref_slice %arg5[%add3A_203, %dma_start3A_285] : memref<4096x256xf32, #tpu.memory_space<hbm>> -> memref<64x128xf32, #tpu.memory_space<hbm>>
    %dma_start3A_287 = arith.constant 0 : i32
    %dma_start3A_288 = tpu.memref_slice %arg5[%add3A_203, %dma_start3A_287] : memref<4096x256xf32, #tpu.memory_space<hbm>> -> memref<64x128xf32, #tpu.memory_space<hbm>>
    %dma_start3A_289 = arith.constant 64 : i32
    %dma_start3A_290 = arith.constant 0 : i32
    %dma_start3A_291 = tpu.memref_slice %arg8[%dma_start3A_289, %dma_start3A_290] : memref<128x128xf32, #tpu.memory_space<vmem>> -> memref<64x128xf32, #tpu.memory_space<vmem>>
    tpu.enqueue_dma source(%dma_start3A_291 : memref<64x128xf32, #tpu.memory_space<vmem>>) target(%dma_start3A_288 : memref<64x128xf32, #tpu.memory_space<hbm>>) target_semaphore(%arg12 : memref<!tpu.dma_semaphore, #tpu.memory_space<semaphore_mem>>)
    %dma_wait3A_292 = arith.constant 64 : i32
    %dma_wait3A_293 = arith.constant 0 : i32
    %dma_wait3A_294 = tpu.memref_slice %arg9[%dma_wait3A_292, %dma_wait3A_293] : memref<128x128xf32, #tpu.memory_space<vmem>> -> memref<64x128xf32, #tpu.memory_space<vmem>>
    %dma_wait3A_295 = arith.constant 64 : i32
    %dma_wait3A_296 = tpu.memref_slice %arg7[%dma_wait3A_295] : memref<128xi32, #tpu.memory_space<vmem>> -> memref<64xi32, #tpu.memory_space<vmem>>
    %dma_wait3A_297 = arith.constant 0 : i32
    %dma_wait3A_298 = arith.constant 0 : i32
    %dma_wait3A_299 = tpu.memref_slice %arg2[%dma_wait3A_297, %dma_wait3A_298] : memref<819200x128xf32, #tpu.memory_space<hbm>> -> memref<819200x128xf32, #tpu.memory_space<hbm>>
    tpu.wait_indirect_dma semaphore(%arg11 : memref<!tpu.dma_semaphore, #tpu.memory_space<semaphore_mem>>) src(%dma_wait3A_299 : memref<819200x128xf32, #tpu.memory_space<hbm>>) dst(%dma_wait3A_294 : memref<64x128xf32, #tpu.memory_space<vmem>>)
    %dma_start3A_300 = arith.constant 64 : i32
    %dma_start3A_301 = arith.constant 0 : i32
    %dma_start3A_302 = tpu.memref_slice %arg9[%dma_start3A_300, %dma_start3A_301] : memref<128x128xf32, #tpu.memory_space<vmem>> -> memref<64x128xf32, #tpu.memory_space<vmem>>
    %dma_start3A_303 = arith.constant 128 : i32
    %dma_start3A_304 = tpu.memref_slice %arg5[%add3A_205, %dma_start3A_303] : memref<4096x256xf32, #tpu.memory_space<hbm>> -> memref<64x128xf32, #tpu.memory_space<hbm>>
    %dma_start3A_305 = arith.constant 128 : i32
    %dma_start3A_306 = tpu.memref_slice %arg5[%add3A_205, %dma_start3A_305] : memref<4096x256xf32, #tpu.memory_space<hbm>> -> memref<64x128xf32, #tpu.memory_space<hbm>>
    %dma_start3A_307 = arith.constant 64 : i32
    %dma_start3A_308 = arith.constant 0 : i32
    %dma_start3A_309 = tpu.memref_slice %arg9[%dma_start3A_307, %dma_start3A_308] : memref<128x128xf32, #tpu.memory_space<vmem>> -> memref<64x128xf32, #tpu.memory_space<vmem>>
    tpu.enqueue_dma source(%dma_start3A_309 : memref<64x128xf32, #tpu.memory_space<vmem>>) target(%dma_start3A_306 : memref<64x128xf32, #tpu.memory_space<hbm>>) target_semaphore(%arg13 : memref<!tpu.dma_semaphore, #tpu.memory_space<semaphore_mem>>)
    %dma_wait3A_310 = arith.constant 0 : i32
    %dma_wait3A_311 = arith.constant 0 : i32
    %dma_wait3A_312 = tpu.memref_slice %arg8[%dma_wait3A_310, %dma_wait3A_311] : memref<128x128xf32, #tpu.memory_space<vmem>> -> memref<64x128xf32, #tpu.memory_space<vmem>>
    %dma_wait3A_313 = arith.constant 0 : i32
    %dma_wait3A_314 = tpu.memref_slice %arg5[%mul3A_2, %dma_wait3A_313] : memref<4096x256xf32, #tpu.memory_space<hbm>> -> memref<64x128xf32, #tpu.memory_space<hbm>>
    %dma_wait3A_315 = arith.constant 0 : i32
    %dma_wait3A_316 = tpu.memref_slice %arg5[%mul3A_2, %dma_wait3A_315] : memref<4096x256xf32, #tpu.memory_space<hbm>> -> memref<64x128xf32, #tpu.memory_space<hbm>>
    %dma_wait3A_317 = arith.constant 0 : i32
    %dma_wait3A_318 = arith.constant 0 : i32
    %dma_wait3A_319 = tpu.memref_slice %arg8[%dma_wait3A_317, %dma_wait3A_318] : memref<128x128xf32, #tpu.memory_space<vmem>> -> memref<64x128xf32, #tpu.memory_space<vmem>>
    tpu.wait_dma2 semaphore(%arg12 : memref<!tpu.dma_semaphore, #tpu.memory_space<semaphore_mem>>) src(%dma_wait3A_319 : memref<64x128xf32, #tpu.memory_space<vmem>>) dst(%dma_wait3A_316 : memref<64x128xf32, #tpu.memory_space<hbm>>)
    %dma_wait3A_320 = arith.constant 0 : i32
    %dma_wait3A_321 = arith.constant 0 : i32
    %dma_wait3A_322 = tpu.memref_slice %arg9[%dma_wait3A_320, %dma_wait3A_321] : memref<128x128xf32, #tpu.memory_space<vmem>> -> memref<64x128xf32, #tpu.memory_space<vmem>>
    %dma_wait3A_323 = arith.constant 128 : i32
    %dma_wait3A_324 = tpu.memref_slice %arg5[%mul3A_2, %dma_wait3A_323] : memref<4096x256xf32, #tpu.memory_space<hbm>> -> memref<64x128xf32, #tpu.memory_space<hbm>>
    %dma_wait3A_325 = arith.constant 128 : i32
    %dma_wait3A_326 = tpu.memref_slice %arg5[%mul3A_2, %dma_wait3A_325] : memref<4096x256xf32, #tpu.memory_space<hbm>> -> memref<64x128xf32, #tpu.memory_space<hbm>>
    %dma_wait3A_327 = arith.constant 0 : i32
    %dma_wait3A_328 = arith.constant 0 : i32
    %dma_wait3A_329 = tpu.memref_slice %arg9[%dma_wait3A_327, %dma_wait3A_328] : memref<128x128xf32, #tpu.memory_space<vmem>> -> memref<64x128xf32, #tpu.memory_space<vmem>>
    tpu.wait_dma2 semaphore(%arg13 : memref<!tpu.dma_semaphore, #tpu.memory_space<semaphore_mem>>) src(%dma_wait3A_329 : memref<64x128xf32, #tpu.memory_space<vmem>>) dst(%dma_wait3A_326 : memref<64x128xf32, #tpu.memory_space<hbm>>)
    %dma_wait3A_330 = arith.constant 64 : i32
    %dma_wait3A_331 = arith.constant 0 : i32
    %dma_wait3A_332 = tpu.memref_slice %arg8[%dma_wait3A_330, %dma_wait3A_331] : memref<128x128xf32, #tpu.memory_space<vmem>> -> memref<64x128xf32, #tpu.memory_space<vmem>>
    %dma_wait3A_333 = arith.constant 0 : i32
    %dma_wait3A_334 = tpu.memref_slice %arg5[%add3A_203, %dma_wait3A_333] : memref<4096x256xf32, #tpu.memory_space<hbm>> -> memref<64x128xf32, #tpu.memory_space<hbm>>
    %dma_wait3A_335 = arith.constant 0 : i32
    %dma_wait3A_336 = tpu.memref_slice %arg5[%add3A_203, %dma_wait3A_335] : memref<4096x256xf32, #tpu.memory_space<hbm>> -> memref<64x128xf32, #tpu.memory_space<hbm>>
    %dma_wait3A_337 = arith.constant 64 : i32
    %dma_wait3A_338 = arith.constant 0 : i32
    %dma_wait3A_339 = tpu.memref_slice %arg8[%dma_wait3A_337, %dma_wait3A_338] : memref<128x128xf32, #tpu.memory_space<vmem>> -> memref<64x128xf32, #tpu.memory_space<vmem>>
    tpu.wait_dma2 semaphore(%arg12 : memref<!tpu.dma_semaphore, #tpu.memory_space<semaphore_mem>>) src(%dma_wait3A_339 : memref<64x128xf32, #tpu.memory_space<vmem>>) dst(%dma_wait3A_336 : memref<64x128xf32, #tpu.memory_space<hbm>>)
    %dma_wait3A_340 = arith.constant 64 : i32
    %dma_wait3A_341 = arith.constant 0 : i32
    %dma_wait3A_342 = tpu.memref_slice %arg9[%dma_wait3A_340, %dma_wait3A_341] : memref<128x128xf32, #tpu.memory_space<vmem>> -> memref<64x128xf32, #tpu.memory_space<vmem>>
    %dma_wait3A_343 = arith.constant 128 : i32
    %dma_wait3A_344 = tpu.memref_slice %arg5[%add3A_205, %dma_wait3A_343] : memref<4096x256xf32, #tpu.memory_space<hbm>> -> memref<64x128xf32, #tpu.memory_space<hbm>>
    %dma_wait3A_345 = arith.constant 128 : i32
    %dma_wait3A_346 = tpu.memref_slice %arg5[%add3A_205, %dma_wait3A_345] : memref<4096x256xf32, #tpu.memory_space<hbm>> -> memref<64x128xf32, #tpu.memory_space<hbm>>
    %dma_wait3A_347 = arith.constant 64 : i32
    %dma_wait3A_348 = arith.constant 0 : i32
    %dma_wait3A_349 = tpu.memref_slice %arg9[%dma_wait3A_347, %dma_wait3A_348] : memref<128x128xf32, #tpu.memory_space<vmem>> -> memref<64x128xf32, #tpu.memory_space<vmem>>
    tpu.wait_dma2 semaphore(%arg13 : memref<!tpu.dma_semaphore, #tpu.memory_space<semaphore_mem>>) src(%dma_wait3A_349 : memref<64x128xf32, #tpu.memory_space<vmem>>) dst(%dma_wait3A_346 : memref<64x128xf32, #tpu.memory_space<hbm>>)
    return
  }
}

module attributes {stable_mosaic.version = 14 : i64} {
  func.func @_proj_body(%arg0: i32, %arg1: memref<1xi32, #tpu.memory_space<smem>>, %arg2: memref<2048x256xf32, #tpu.memory_space<vmem>>, %arg3: memref<2048x128xf32, #tpu.memory_space<vmem>>, %arg4: memref<1x256xf32, #tpu.memory_space<vmem>>, %arg5: memref<256x128xf32, #tpu.memory_space<vmem>>, %arg6: memref<2048x128xf32, #tpu.memory_space<vmem>>) attributes {dimension_semantics = [#tpu.dimension_semantics<arbitrary>], iteration_bounds = array<i64: 2>, scalar_prefetch = 0 : i64, scratch_operands = 0 : i64, tpu.core_type = #tpu.core_type<tc>, window_params = [{transform_indices = @transform_0, window_bounds = array<i64: 1>}, {transform_indices = @transform_1, window_bounds = array<i64: 2048, 256>}, {transform_indices = @transform_2, window_bounds = array<i64: 2048, 128>}, {pipeline_mode = #tpu.pipeline_mode<synchronous>, transform_indices = @transform_3, window_bounds = array<i64: 1, 256>}, {pipeline_mode = #tpu.pipeline_mode<synchronous>, transform_indices = @transform_4, window_bounds = array<i64: 256, 128>}, {transform_indices = @transform_5, window_bounds = array<i64: 2048, 128>}]} {
    %get3A = arith.constant 0 : index
    %get3A_0 = memref.load %arg1[%get3A] : memref<1xi32, #tpu.memory_space<smem>>
    %eq3A = arith.constant 1 : i32
    %eq3A_1 = arith.cmpi eq, %get3A_0, %eq3A : i32
    %get3A_2 = arith.constant 0 : index
    %get3A_3 = arith.constant 0 : index
    %get3A_4 = vector.load %arg4[%get3A_2, %get3A_3] : memref<1x256xf32, #tpu.memory_space<vmem>>, vector<1x256xf32>
    %broadcast_in_dim3A = vector.shape_cast %get3A_4 : vector<1x256xf32> to vector<1x256xf32>
    %broadcast_in_dim3A_5 = vector.broadcast %broadcast_in_dim3A : vector<1x256xf32> to vector<2048x256xf32>
    %get3A_6 = arith.constant 0 : index
    %get3A_7 = arith.constant 0 : index
    %get3A_8 = vector.load %arg2[%get3A_6, %get3A_7] : memref<2048x256xf32, #tpu.memory_space<vmem>>, vector<2048x256xf32>
    %select_n3A = arith.select %eq3A_1, %broadcast_in_dim3A_5, %get3A_8 : vector<2048x256xf32>
    %get3A_9 = arith.constant 0 : index
    %get3A_10 = arith.constant 0 : index
    %get3A_11 = vector.load %arg5[%get3A_9, %get3A_10] : memref<256x128xf32, #tpu.memory_space<vmem>>, vector<256x128xf32>
    %dot_general3A = arith.constant dense<0.000000e+00> : vector<2048x128xf32>
    %dot_general3A_12 = tpu.matmul %select_n3A, %get3A_11, %dot_general3A {dimension_numbers = #tpu.dot_dimension_numbers<[1], [0], [0], [1], [0, 0, 1, 1], [], []>, transpose_lhs_hint = false} : vector<2048x256xf32>, vector<256x128xf32>, vector<2048x128xf32> -> vector<2048x128xf32>
    %get3A_13 = arith.constant 0 : index
    %get3A_14 = arith.constant 0 : index
    %get3A_15 = vector.load %arg3[%get3A_13, %get3A_14] : memref<2048x128xf32, #tpu.memory_space<vmem>>, vector<2048x128xf32>
    %add3A = arith.addf %get3A_15, %dot_general3A_12 : vector<2048x128xf32>
    %swap3A = arith.constant 0 : index
    %swap3A_16 = arith.constant 0 : index
    %swap3A_17 = vector.load %arg6[%swap3A, %swap3A_16] : memref<2048x128xf32, #tpu.memory_space<vmem>>, vector<2048x128xf32>
    tpu.vector_store %arg6[%swap3A, %swap3A_16], %add3A {strides = array<i32>} : memref<2048x128xf32, #tpu.memory_space<vmem>>, vector<2048x128xf32>,
    return
  }
  func.func @transform_0(%arg0: i32) -> i32 {
    %c0_i32 = arith.constant 0 : i32
    %c0_i32_0 = arith.constant 0 : i32
    return %c0_i32 : i32
  }
  func.func @transform_1(%arg0: i32) -> (i32, i32) {
    %c0_i32 = arith.constant 0 : i32
    %c0_i32_0 = arith.constant 0 : i32
    return %arg0, %c0_i32 : i32, i32
  }
  func.func @transform_2(%arg0: i32) -> (i32, i32) {
    %c0_i32 = arith.constant 0 : i32
    %c0_i32_0 = arith.constant 0 : i32
    return %arg0, %c0_i32 : i32, i32
  }
  func.func @transform_3(%arg0: i32) -> (i32, i32) {
    %c0_i32 = arith.constant 0 : i32
    %c0_i32_0 = arith.constant 0 : i32
    %c0_i32_1 = arith.constant 0 : i32
    return %c0_i32, %c0_i32_0 : i32, i32
  }
  func.func @transform_4(%arg0: i32) -> (i32, i32) {
    %c0_i32 = arith.constant 0 : i32
    %c0_i32_0 = arith.constant 0 : i32
    %c0_i32_1 = arith.constant 0 : i32
    return %c0_i32, %c0_i32_0 : i32, i32
  }
  func.func @transform_5(%arg0: i32) -> (i32, i32) {
    %c0_i32 = arith.constant 0 : i32
    %c0_i32_0 = arith.constant 0 : i32
    return %arg0, %c0_i32 : i32, i32
  }
}

</mosaic_0001>

<sc_bundles>
// kernel: kernel.4.cloned.1.call-start
scs
__scs_entry_jumppad:
0x0: {  	(pc) =	sbr.rel $0x88, $3  }
0x1: {  	(tag) =	ssettag $0x0;
	lr =	simm.s32 $0x1  }
0x2: {  	[smem:$0x3F9A] =	sst lr;
	_ =	strace $0xD0000000  }
0x3: {  	_ = 	snop  }
0x4: {  	_ = 	snop  }
0x5: {  	_ = 	snop  }
0x6: {  	_ = 	snop  }
0x7: {  	_ = 	snop  }
__scs_overlays_trampoline_lowered:
0x8: {  	[smem:$0x3FA9] =	sst s0  }
0x9: {  	[smem:$0x3FAA] =	sst s1  }
0xa: {  	[smem:$0x3FAB] =	sst s2  }
0xb: {  	[smem:$0x3FAC] =	sst s3  }
0xc: {  	[smem:$0x3FAD] =	sst s4  }
0xd: {  	[smem:$0x3FAE] =	sst s5  }
0xe: {  	[smem:$0x3FAF] =	sst s6  }
0xf: {  	[smem:$0x3FB0] =	sst s7  }
0x10: {  	[smem:$0x3FB1] =	sst s8  }
0x11: {  	[smem:$0x3FB2] =	sst s9;
	s0 =	simm.s32 @!p0 $0x0  }
0x12: {  	s1 =	sld [smem:$0x3F98];
	s0 =	simm.s32 @p0 $0x1  }
0x13: {  	[smem:$0x3FB3] =	sst s0;
	s0 =	simm.s32 @!p1 $0x0  }
0x14: {  	s2 =	sld [smem:$0x3F97];
	s0 =	simm.s32 @p1 $0x1  }
0x15: {  	[smem:$0x3FB4] =	sst s0;
	s0 =	simm.s32 @!p2 $0x0  }
0x16: {  	s3 =	sld [smem:$0x3FDB];
	s0 =	simm.s32 @p2 $0x1  }
0x17: {  	s4 =	simm.s32 $0x1BF5;
	[smem:$0x3FB6] =	sst s0  }
0x18: {  	s0 =	sld [smem:$0x3F99];
	_ =	swait.ge [sflag:s4], $0x0  }
0x19: {  	s7 =	sld [smem:$0x3F9A]  }
0x1a: {  	s8 =	sadd.s32 $0xFFFFE003, lr  }
0x1b: {  	s9 =	sadd.s32 $0xFFFFFEF7, lr;
	s5 =	simm.s32 $0xFFFFFFFF;
	p2 =	slt.u32 s8, $0xFFFFF086  }
0x1c: {  	p1 =	slt.u32 s9, $0xF7A;
	s5 =	simm.s32 @!p2 $0x0  }
0x1d: {  	s5 =	simm.s32 @p1 $0x1;
	p0 =	seq.s32 s7, s2  }
0x1e: {  	s7 =	smul.u32 @!p0 $0xF7A, s2;
	p2 =	seq.s32 @!p0 s5, $0x0  }
0x1f: {  	s9 =	smul.u32 $0xF7A, s1;
	s8 =	simm.s32 @!p0 $0x1BF5;
	p2 =	por !p2, p0  }
0x20: {  	[sflag:s8] =	ssyncset.s32 @!p0 $0xFFFFF086;
	s6 =	sadd.s32 @!p0 s3, s7;
	s7 =	simm.s32 @!p0 $0x108  }
0x21: {  	s3 =	sadd.s32 s3, s9;
	s6 =	sadd.s32 @!p0 $0x88, s6;
	s7 =	simm.s32 @p2 $0x1082  }
0x22: {  	[simem:s7], [sflag:s8] =	dma.local @!p0 [hbm:s6], $0xF7A  }
0x23: {  	s9 =	sor.u32 $0xD0000000, s2;
	s6 =	simm.s32 $0x108;
	_ =	swait.ge @!p0 [sflag:s8], $0x0  }
0x24: {  	s3 =	sadd.s32 $0x88, s3;
	s6 =	simm.s32 @!p1 $0x1082;
	[sflag:s4] =	ssyncset.s32 $0xFFFFF086  }
0x25: {  	[simem:s6], [sflag:s4] =	dma.local [hbm:s3], $0xF7A  }
0x26: {  	[smem:$0x3F9A] =	sst s1;
	(tag) =	ssettag s2;
	_ =	strace s9  }
0x27: {  	s1 =	sld [smem:$0x3FAA]  }
0x28: {  	s2 =	sld [smem:$0x3FAB]  }
0x29: {  	s4 =	sld [smem:$0x3FAD]  }
0x2a: {  	p0 =	seq.s32 s5, $0x0;
	s5 =	sld [smem:$0x3FAE]  }
0x2b: {  	s6 =	sld [smem:$0x3FAF]  }
0x2c: {  	s7 =	sld [smem:$0x3FB0]  }
0x2d: {  	s3 =	simm.s32 $0x108;
	s8 =	sld [smem:$0x3FB1]  }
0x2e: {  	s3 =	simm.s32 @!p0 $0x1082;
	s9 =	sld [smem:$0x3FB2]  }
0x2f: {  	lr =	sadd.s32 s0, s3;
	s0 =	sld [smem:$0x3FA9]  }
0x30: {  	s3 =	sld [smem:$0x3FAC]  }
0x31: {  	[smem:$0x3FB5] =	sst s10  }
0x32: {  	s10 =	sld [smem:$0x3FB3];
	_ =	sdelay $0x3  }
0x33: {  	p0 =	seq.s32 s10, $0x1;
	s10 =	sld [smem:$0x3FB5];
	_ =	sdelay $0x3  }
0x34: {  	[smem:$0x3FB5] =	sst s10  }
0x35: {  	s10 =	sld [smem:$0x3FB4];
	_ =	sdelay $0x3  }
0x36: {  	p1 =	seq.s32 s10, $0x1;
	s10 =	sld [smem:$0x3FB5];
	_ =	sdelay $0x3  }
0x37: {  	[smem:$0x3FB5] =	sst s10  }
0x38: {  	s10 =	sld [smem:$0x3FB6]  }
0x39: {  	_ = 	snop;
	(pc) =	sbr.ind lr, $3  }
0x3a: {  	_ = 	snop  }
0x3b: {  	_ = 	snop  }
0x3c: {  	p2 =	seq.s32 s10, $0x1;
	s10 =	sld [smem:$0x3FB5]  }
0x3d: {  	_ =	shalt  }
0x3e: {  	_ =	shalt  }
0x3f: {  	_ =	shalt  }
0x40: {  	_ =	shalt  }
0x41: {  	_ =	shalt  }
0x42: {  	_ =	shalt  }
0x43: {  	_ =	shalt  }
0x44: {  	_ =	shalt  }
0x45: {  	_ =	shalt  }
0x46: {  	_ =	shalt  }
0x47: {  	_ =	shalt  }
0x48: {  	_ =	shalt  }
0x49: {  	_ =	shalt  }
0x4a: {  	_ =	shalt  }
0x4b: {  	_ =	shalt  }
0x4c: {  	_ =	shalt  }
0x4d: {  	_ =	shalt  }
0x4e: {  	_ =	shalt  }
0x4f: {  	_ =	shalt  }
0x50: {  	_ =	shalt  }
0x51: {  	_ =	shalt  }
0x52: {  	_ =	shalt  }
0x53: {  	_ =	shalt  }
0x54: {  	_ =	shalt  }
0x55: {  	_ =	shalt  }
0x56: {  	_ =	shalt  }
0x57: {  	_ =	shalt  }
0x58: {  	_ =	shalt  }
0x59: {  	_ =	shalt  }
0x5a: {  	_ =	shalt  }
0x5b: {  	_ =	shalt  }
0x5c: {  	_ =	shalt  }
0x5d: {  	_ =	shalt  }
0x5e: {  	_ =	shalt  }
0x5f: {  	_ =	shalt  }
0x60: {  	_ =	shalt  }
0x61: {  	_ =	shalt  }
0x62: {  	_ =	shalt  }
0x63: {  	_ =	shalt  }
0x64: {  	_ =	shalt  }
0x65: {  	_ =	shalt  }
0x66: {  	_ =	shalt  }
0x67: {  	_ =	shalt  }
0x68: {  	_ =	shalt  }
0x69: {  	_ =	shalt  }
0x6a: {  	_ =	shalt  }
0x6b: {  	_ =	shalt  }
0x6c: {  	_ =	shalt  }
0x6d: {  	_ =	shalt  }
0x6e: {  	_ =	shalt  }
0x6f: {  	_ =	shalt  }
0x70: {  	_ =	shalt  }
0x71: {  	_ =	shalt  }
0x72: {  	_ =	shalt  }
0x73: {  	_ =	shalt  }
0x74: {  	_ =	shalt  }
0x75: {  	_ =	shalt  }
0x76: {  	_ =	shalt  }
0x77: {  	_ =	shalt  }
0x78: {  	_ =	shalt  }
0x79: {  	_ =	shalt  }
0x7a: {  	_ =	shalt  }
0x7b: {  	_ =	shalt  }
0x7c: {  	_ =	shalt  }
0x7d: {  	_ =	shalt  }
0x7e: {  	_ =	shalt  }
0x7f: {  	_ =	shalt  }
0x80: {  	_ =	shalt  }
0x81: {  	_ =	shalt  }
0x82: {  	_ =	shalt  }
0x83: {  	_ =	shalt  }
0x84: {  	_ =	shalt  }
0x85: {  	_ =	shalt  }
0x86: {  	_ =	shalt  }
0x87: {  	_ =	shalt  }
.Lfunc_end0:
.L_simem_size_0:
called_computation_lowered:
.L_overlay_start_0:
0x88: {  	s2 =	sld [smem:$0x3FD9]  }
0x89: {  	s3 =	sld [smem:$0x3FFE];
	_ =	sdelay $0x1  }
0x8a: {  	s1 =	srdreg.scid  }
0x8b: {  	s0 =	sand.u32 $0x1, s1  }
0x8c: {  	s17 =	sshll.u32 s0, $0xA;
	s2 =	sadd.s32 s3, s2  }
0x8d: {  	s2 =	sadd.s32 s2, s17  }
0x8e: {  	[smem:$0x3FC1] =	sst s2  }
0x8f: {  	_ = 	snop  }
0x90: {  	s2 =	sld [smem:$0x3FC9]  }
0x91: {  	s18 =	sld [smem:$0x3FC7]  }
0x92: {  	s4 =	sld [smem:$0x3FC6];
	(tm) =	ssettm $0x1  }
0x93: {  	s5 =	sld [smem:$0x3FFB];
	_ =	sdelay $0x3  }
0x94: {  	_ =	strace s5  }
0x95: {  	s5 =	sld [smem:$0x3FFC];
	_ =	sdelay $0x3  }
0x96: {  	_ =	strace s5  }
0x97: {  	s5 =	sld [smem:$0x3FFD];
	_ =	sdelay $0x3  }
0x98: {  	_ =	strace s5  }
0x99: {  	_ =	strace $0x8FFFFFFF  }
0x9a: {  	s19 =	sld [smem:$0x3FDB];
	_ =	sdelay $0x1  }
0x9b: {  	s6 =	simm.s32 $_scs_section_size  }
0x9c: {  	s7 =	simm.s32 $_size__tile_overlayer_lowered;
	s8 =	simm.s32 $_tile_overlayer_lowered  }
0x9d: {  	s22 =	simm.s32 $0x1BFF;
	s21 =	sshll.u32 s8, $0x1;
	s5 =	sadd.s32 s6, s19  }
0x9e: {  	s9 =	simm.s32 $0x0;
	s20 =	sshll.u32 s7, $0x1;
	s7 =	sadd.s32 s21, s5  }
0x9f: {  	[timem:s9], [sflag:s22] =	dma.local [hbm:s7], s20  }
0xa0: {  	_ =	swait.ge [sflag:s22], s20  }
0xa1: {  	s6 =	ssub.s32 $0x0, s20;
	[sflag:s22] =	ssyncset.done $0x0  }
0xa2: {  	[sflag:s22] =	ssyncadd.s32 s6;
	_ =	sdelay $0x1  }
0xa3: {  	s23 =	simm.s32 $0x1B8B  }
0xa4: {  	_ =	swait.ge [sflag:s23], $0x1  }
0xa5: {  	[sflag:s23] =	ssyncset.done $0x0  }
0xa6: {  	s25 =	simm.s32 $0x1B8E;
	s24 =	sld [smem:$0x3FFE];
	[sflag:s23] =	ssyncadd.s32 $0xFFFFFFFF  }
0xa7: {  	s26 =	simm.s32 $execute0_lowered;
	[smem:$0x3FD2] =	sst s25  }
0xa8: {  	s7 =	sshll.u32 s26, $0x1;
	_ =	strace $0x80000046;
	[dreg:$0x1] =	wrdreg $0xFFFFFFFF  }
0xa9: {  	s28 =	simm.s32 $_size_execute0_lowered;
	s5 =	sadd.s32 s5, s7;
	[dreg:$0x0] =	wrdreg $0x0  }
0xaa: {  	s7 =	sshll.u32 s28, $0x1;
	[dreg:$0x2] =	wrdreg s5  }
0xab: {  	[dreg:$0x3] =	wrdreg s7  }
0xac: {  	[dreg:$0x4] =	wrdreg $0xC0  }
0xad: {  	_ =	task [dreg:s9], $0x5FFFF  }
0xae: {  	[dreg:$0x1] =	wrdreg $0xFFFFFFFF  }
0xaf: {  	[dreg:$0x0] =	wrdreg $0x60  }
0xb0: {  	[dreg:$0x2] =	wrdreg s2  }
0xb1: {  	[dreg:$0x3] =	wrdreg s18  }
0xb2: {  	[dreg:$0x4] =	wrdreg s4  }
0xb3: {  	[dreg:$0x5] =	wrdreg s24  }
0xb4: {  	[dreg:$0x6] =	wrdreg $0x9  }
0xb5: {  	_ =	task.clear_ibuf [dreg:s9], $0x7FFFF;
	_ =	strace $0x90000046  }
0xb6: {  	s29 =	simm.s32 $0x9;
	_ =	strace $0x80000048  }
0xb7: {  	_ =	swait.ge [sflag:s29], $0x1  }
0xb8: {  	[sflag:s29] =	ssyncadd.s32 $0xFFFFFFFF  }
0xb9: {  	_ =	strace $0x90000048  }
0xba: {  	_ =	sfence  }
0xbb: {  	s30 =	sld [smem:$0x0];
	_ =	sdelay $0x2  }
0xbc: {  	s31 =	sshll.u32 s1, $0xD;
	s1 =	sshrl.u32 s1, $0x2  }
0xbd: {  	s3 =	sand.u32 $0x4000, s31;
	s1 =	sadd.s32 s1, s30  }
0xbe: {  	s0 =	sor.u32 s3, s0;
	s1 =	sshll.u32 s1, $0x11  }
0xbf: {  	s0 =	sor.u32 s1, s0  }
0xc0: {  	s0 =	sadd.s32 $0x8F2B, s0  }
0xc1: {  	[sflag:s0] =	ssyncadd.remote.s32 $0x1  }
0xc2: {  	_ =	sfence.sel $0xFFFF  }
0xc3: {  	[dreg:$0x0] =	wrdreg $0xFFFFFFFF;
	(pc) =	sbr.abs _section_cstart, $3  }
0xc4: {  	[dreg:$0x1] =	wrdreg $0xFFFFFFFF  }
0xc5: {  	_ =	task.clear_ibuf [dreg:s9], $0x2FFFF;
	_ =	strace $0x9FFFFFFF  }
0xc6: {  	(tm) =	ssettm $0x7FFFFFFF  }
0xc7: {  	_ =	shalt  }
tec
execute0_lowered:
.L_overlay_start_1:
0x0: {  	(tag) =	ssettag $0x1  }
0x1: {  	s2 =	rddreg [dreg:$0x0]  }
0x2: {  	s4 =	rddreg [dreg:$0x1]  }
0x3: {  	s1 =	srdreg.scid;
	s0 =	stileid.u32  }
0x4: {  	s5 =	rddreg [dreg:$0x2];
	s18 =	sand.u32 $0x1, s1;
	s6 =	sshll.u32 s0, $0x1  }
0x5: {  	s16 =	rddreg [dreg:$0x3];
	s3 =	simm.s32 $0x0;
	s12 =	sor.u32 s18, s6  }
0x6: {  	[smem:$0x7FF] =	sst s3;
	s6 =	sshll.u32 s12, $0x4  }
0x7: {  	s1 =	rddreg [dreg:$0x4];
	_ =	strace $0x80000047;
	s4 =	sadd.s32 s4, s6  }
0x8: {  	[tilespmem:s3], [sflag:$0x1] =	stream.linear.gather [hbm4b:s4+s3], $0x80, $0x38;
	[tilespmem:$0x8100] =	vst v63  }
0x9: {  	s7 =	simm.s32 $0x1;
	s5 =	sadd.s32 s5, s6;
	s6 =	simm.s32 $0x80  }
0xa: {  	[tilespmem:s6], [sflag:$0x2] =	stream.linear.gather [hbm4b:s5+s3], $0x80, $0x38;
	[tilespmem:$0x8100] =	vst v63  }
0xb: {  	_ =	swait.ge [sflag:s7], $0x80  }
0xc: {  	[sflag:s7] =	ssyncset.done $0x0  }
0xd: {  	s8 =	simm.s32 $0x2;
	[sflag:s7] =	ssyncadd.s32 $0xFFFFFF80  }
0xe: {  	_ =	swait.ge [sflag:s8], $0x80  }
0xf: {  	[sflag:s8] =	ssyncset.done $0x0  }
0x10: {  	[sflag:s8] =	ssyncadd.s32 $0xFFFFFF80  }
0x11: {  	v2 =	vld [tilespmem:$0xF0]  }
0x12: {  	v0 =	vlaneseq.u32;
	s9 =	smul.u32 $0x6400, s12;
	v3 =	vld [tilespmem:$0xD0]  }
0x13: {  	v7 =	vmul.u32 $0xC8, v0;
	v4 =	vld [tilespmem:$0x70]  }
0x14: {  	s10 =	sadd.s32 $0x5780, s9;
	v5 =	vld [tilespmem:$0xE0]  }
0x15: {  	s11 =	sadd.s32 $0x3E80, s9;
	v0 =	vadd.s32 s10, v7;
	v6 =	vld [tilespmem:$0x60]  }
0x16: {  	v1 =	vadd.s32 s11, v7;
	v8 =	vld [tilespmem:$0x90];
	v2 =	vadd.s32 v2, v0  }
0x17: {  	s25 =	sadd.s32 $0x4B00, s9;
	v9 =	vld [tilespmem:$0x50];
	v3 =	vadd.s32 v3, v1;
	[tilespmem:$0xF0] =	vst v2  }
0x18: {  	v59 =	vld [tilespmem:$0x10];
	v2 =	vadd.s32 s25, v7;
	[tilespmem:$0xD0] =	vst v3;
	v3 =	vadd.s32 v4, v0  }
0x19: {  	s26 =	sshll.u32 s12, $0x7;
	s28 =	sadd.s32 $0xC80, s9;
	v10 =	vld [tilespmem:$0xC0];
	v4 =	vadd.s32 v5, v2;
	[tilespmem:$0x70] =	vst v3  }
0x1a: {  	s19 =	sor.u32 $0x40, s26;
	v11 =	vld [tilespmem:$0x40];
	v3 =	vadd.s32 s28, v7;
	v5 =	vadd.s32 v6, v2;
	[tilespmem:$0xE0] =	vst v4  }
0x1b: {  	s29 =	smul.u32 $0xC8, s19;
	v12 =	vld [tilespmem:$0x30];
	v6 =	vadd.s32 v8, v3;
	[tilespmem:$0x60] =	vst v5  }
0x1c: {  	v13 =	vld [tilespmem:$0x20];
	v5 =	vadd.s32 v9, v1;
	[tilespmem:$0x90] =	vst v6  }
0x1d: {  	v60 =	vld [tilespmem:$0x0];
	v4 =	vadd.s32 s29, v7;
	v62 =	vadd.s32 v59, v3;
	[tilespmem:$0x50] =	vst v5  }
0x1e: {  	s30 =	sadd.s32 $0x2580, s9;
	v8 =	vld [tilespmem:$0xA0];
	v6 =	vadd.s32 v10, v4;
	[tilespmem:$0x10] =	vst v62  }
0x1f: {  	s31 =	sadd.s32 $0x1900, s9;
	v58 =	vld [tilespmem:$0xB0];
	v5 =	vadd.s32 s30, v7;
	v11 =	vadd.s32 v11, v4;
	[tilespmem:$0xC0] =	vst v6  }
0x20: {  	v14 =	vld [tilespmem:$0x80];
	v6 =	vadd.s32 s31, v7;
	v12 =	vadd.s32 v12, v5;
	[tilespmem:$0x40] =	vst v11  }
0x21: {  	v7 =	vadd.s32 s9, v7;
	[tilespmem:$0x30] =	vst v12;
	v61 =	vadd.s32 v13, v6  }
0x22: {  	v63 =	vadd.s32 v60, v7;
	[tilespmem:$0x20] =	vst v61  }
0x23: {  	[tilespmem:$0x0] =	vst v63;
	v8 =	vadd.s32 v8, v6  }
0x24: {  	[tilespmem:$0xA0] =	vst v8;
	v8 =	vadd.s32 v58, v5  }
0x25: {  	[tilespmem:$0xB0] =	vst v8;
	v8 =	vadd.s32 v14, v7  }
0x26: {  	s10 =	simm.s32 $0x100;
	s9 =	simm.s32 $0x40;
	[tilespmem:$0x80] =	vst v8  }
0x27: {  	[tilespmem:s10], [sflag:$0x1] =	stream.indirect.gather [hbm4b:s2+s9], $0x80, s3, s9, $0xb8;
	[tilespmem:$0x8100] =	vst v63  }
0x28: {  	s11 =	simm.s32 $0x4100  }
0x29: {  	[tilespmem:s11], [sflag:$0x2] =	stream.indirect.gather [hbm4b:s2+s9], $0x80, s6, s9, $0xb8;
	[tilespmem:$0x8100] =	vst v63  }
0x2a: {  	_ =	swait.ge [sflag:s7], $0x2000  }
0x2b: {  	s13 =	simm.s32 $0x2100;
	s14 =	simm.s32 $0x800;
	[sflag:s7] =	ssyncset.done $0x0  }
0x2c: {  	s21 =	sadd.s32 $0xC00, s16;
	s20 =	sshll.u32 s12, $0xC;
	[sflag:s7] =	ssyncadd.s32 $0xFFFFE000  }
0x2d: {  	[tilespmem:s13], [sflag:$0x1] =	stream.indirect.gather [hbm4b:s2+s9], $0x80, s9, s9, $0xb8;
	[tilespmem:$0x8100] =	vst v63  }
0x2e: {  	s18 =	ssub.s32 $0x2, s18;
	s12 =	simm.s32 $0x400;
	s15 =	sadd.s32 s21, s20  }
0x2f: {  	[hbm4b:s15+s12] =	stream.strided.scatter [tilespmem:s10], [sflag:$0x3], $0x2000, s14, s12, $0x38;
	[tilespmem:$0x8100] =	vst v63  }
0x30: {  	s17 =	simm.s32 $0xC0;
	s22 =	sshrl.u32 s18, $0x1;
	_ =	swait.ge [sflag:s8], $0x2000  }
0x31: {  	s23 =	sadd.s32 $0xC80, s16;
	s18 =	ssub.s32 s18, s22;
	[sflag:s8] =	ssyncset.done $0x0  }
0x32: {  	s16 =	simm.s32 $0x6100;
	s24 =	smax.u32 s18, $0x1;
	[sflag:s8] =	ssyncadd.s32 $0xFFFFE000  }
0x33: {  	[tilespmem:s16], [sflag:$0x2] =	stream.indirect.gather [hbm4b:s2+s9], $0x80, s17, s9, $0xb8;
	[tilespmem:$0x8100] =	vst v63  }
0x34: {  	s20 =	sadd.s32 s20, s23;
	p0 =	sne.s32 s24, $0x1  }
0x35: {  	[hbm4b:s20+s12] =	stream.strided.scatter [tilespmem:s11], [sflag:$0x4], $0x2000, s14, s12, $0x38;
	[tilespmem:$0x8100] =	vst v63  }
.Ltmp0:
0x36: {  	_ = 	snop;
	(pc) =	sbr.rel @!p0 .LBB2_2-.Ltmp0, $4  }
0x37: {  	s19 =	sshll.u32 s19, $0x5;
	s18 =	simm.s32 $0x4;
	_ =	swait.ge [sflag:s7], $0x2000  }
0x38: {  	s22 =	sadd.s32 s21, s19;
	s21 =	sadd.s32 s19, s23;
	[sflag:s7] =	ssyncset.done $0x0  }
0x39: {  	s19 =	simm.s32 $0x3;
	s23 =	sadd.s32 $0xFFFFFFFF, s24;
	[sflag:s7] =	ssyncadd.s32 $0xFFFFE000  }
0x3a: {  	[hbm4b:s22+s12] =	stream.strided.scatter [tilespmem:s13], [sflag:$0x3], $0x2000, s14, s12, $0x38;
	[tilespmem:$0x8100] =	vst v63  }
.LBB2_1:
0x3b: {  	p0 =	sne.s32 s23, $0x1;
	s23 =	sadd.s32 $0xFFFFFFFF, s23;
	_ =	swait.ge [sflag:s8], $0x2000  }
0x3c: {  	[sflag:s8] =	ssyncset.done $0x0  }
0x3d: {  	[sflag:s8] =	ssyncadd.s32 $0xFFFFE000  }
0x3e: {  	[hbm4b:s21+s12] =	stream.strided.scatter [tilespmem:s16], [sflag:$0x4], $0x2000, s14, s12, $0x38;
	[tilespmem:$0x8100] =	vst v63  }
0x3f: {  	_ =	swait.ge [sflag:s19], $0x2000  }
0x40: {  	[sflag:s19] =	ssyncset.done $0x0  }
0x41: {  	[sflag:s19] =	ssyncadd.s32 $0xFFFFE000  }
0x42: {  	_ =	swait.ge [sflag:s18], $0x2000  }
0x43: {  	[sflag:s18] =	ssyncset.done $0x0  }
0x44: {  	[sflag:s18] =	ssyncadd.s32 $0xFFFFE000  }
0x45: {  	_ =	swait.ge [sflag:s19], $0x2000  }
0x46: {  	[sflag:s19] =	ssyncset.done $0x0  }
0x47: {  	[sflag:s19] =	ssyncadd.s32 $0xFFFFE000  }
0x48: {  	_ =	swait.ge [sflag:s18], $0x2000  }
0x49: {  	[sflag:s18] =	ssyncset.done $0x0  }
0x4a: {  	[sflag:s18] =	ssyncadd.s32 $0xFFFFE000  }
0x4b: {  	[tilespmem:s3], [sflag:$0x1] =	stream.linear.gather [hbm4b:s4+s3], $0x80, $0x38;
	[tilespmem:$0x8100] =	vst v63  }
0x4c: {  	_ = 	snop  }
0x4d: {  	[tilespmem:s6], [sflag:$0x2] =	stream.linear.gather [hbm4b:s5+s3], $0x80, $0x38;
	[tilespmem:$0x8100] =	vst v63  }
0x4e: {  	_ =	swait.ge [sflag:s7], $0x80  }
0x4f: {  	[sflag:s7] =	ssyncset.done $0x0  }
0x50: {  	[sflag:s7] =	ssyncadd.s32 $0xFFFFFF80  }
0x51: {  	_ =	swait.ge [sflag:s8], $0x80  }
0x52: {  	[sflag:s8] =	ssyncset.done $0x0  }
0x53: {  	[sflag:s8] =	ssyncadd.s32 $0xFFFFFF80  }
0x54: {  	v8 =	vld [tilespmem:$0xF0]  }
0x55: {  	v9 =	vld [tilespmem:$0xD0]  }
0x56: {  	v10 =	vld [tilespmem:$0x70]  }
0x57: {  	v11 =	vld [tilespmem:$0xE0]  }
0x58: {  	v12 =	vld [tilespmem:$0x60]  }
0x59: {  	v13 =	vld [tilespmem:$0x90];
	v8 =	vadd.s32 v8, v0  }
0x5a: {  	v14 =	vld [tilespmem:$0x50];
	v9 =	vadd.s32 v9, v1;
	[tilespmem:$0xF0] =	vst v8  }
0x5b: {  	v8 =	vld [tilespmem:$0xC0];
	[tilespmem:$0xD0] =	vst v9;
	v9 =	vadd.s32 v10, v0  }
0x5c: {  	v10 =	vld [tilespmem:$0x40];
	v11 =	vadd.s32 v11, v2;
	[tilespmem:$0x70] =	vst v9  }
0x5d: {  	v9 =	vld [tilespmem:$0x30];
	v12 =	vadd.s32 v12, v2;
	[tilespmem:$0xE0] =	vst v11  }
0x5e: {  	v11 =	vadd.s32 v13, v3;
	v13 =	vld [tilespmem:$0xA0];
	[tilespmem:$0x60] =	vst v12  }
0x5f: {  	[tilespmem:$0x90] =	vst v11;
	v11 =	vld [tilespmem:$0x20];
	v12 =	vadd.s32 v14, v1  }
0x60: {  	v14 =	vld [tilespmem:$0xB0];
	v8 =	vadd.s32 v8, v4;
	[tilespmem:$0x50] =	vst v12  }
0x61: {  	v12 =	vld [tilespmem:$0x10];
	v10 =	vadd.s32 v10, v4;
	[tilespmem:$0xC0] =	vst v8  }
0x62: {  	v8 =	vld [tilespmem:$0x80];
	v9 =	vadd.s32 v9, v5;
	[tilespmem:$0x40] =	vst v10  }
0x63: {  	v10 =	vld [tilespmem:$0x0];
	v13 =	vadd.s32 v13, v6;
	[tilespmem:$0x30] =	vst v9  }
0x64: {  	v9 =	vadd.s32 v11, v6;
	[tilespmem:$0xA0] =	vst v13  }
0x65: {  	[tilespmem:$0x20] =	vst v9;
	v9 =	vadd.s32 v14, v5  }
0x66: {  	v11 =	vadd.s32 v12, v3;
	[tilespmem:$0xB0] =	vst v9  }
0x67: {  	v8 =	vadd.s32 v8, v7;
	[tilespmem:$0x10] =	vst v11  }
0x68: {  	v9 =	vadd.s32 v10, v7;
	[tilespmem:$0x80] =	vst v8  }
0x69: {  	[tilespmem:$0x0] =	vst v9  }
0x6a: {  	[tilespmem:s10], [sflag:$0x1] =	stream.indirect.gather [hbm4b:s2+s9], $0x80, s3, s9, $0xb8;
	[tilespmem:$0x8100] =	vst v63  }
0x6b: {  	_ = 	snop  }
0x6c: {  	[tilespmem:s11], [sflag:$0x2] =	stream.indirect.gather [hbm4b:s2+s9], $0x80, s6, s9, $0xb8;
	[tilespmem:$0x8100] =	vst v63  }
0x6d: {  	_ =	swait.ge [sflag:s7], $0x2000  }
0x6e: {  	[sflag:s7] =	ssyncset.done $0x0  }
0x6f: {  	[sflag:s7] =	ssyncadd.s32 $0xFFFFE000  }
0x70: {  	[tilespmem:s13], [sflag:$0x1] =	stream.indirect.gather [hbm4b:s2+s9], $0x80, s9, s9, $0xb8;
	[tilespmem:$0x8100] =	vst v63  }
0x71: {  	_ = 	snop  }
0x72: {  	[hbm4b:s15+s12] =	stream.strided.scatter [tilespmem:s10], [sflag:$0x3], $0x2000, s14, s12, $0x38;
	[tilespmem:$0x8100] =	vst v63  }
0x73: {  	_ =	swait.ge [sflag:s8], $0x2000  }
0x74: {  	[sflag:s8] =	ssyncset.done $0x0  }
0x75: {  	[sflag:s8] =	ssyncadd.s32 $0xFFFFE000  }
0x76: {  	[tilespmem:s16], [sflag:$0x2] =	stream.indirect.gather [hbm4b:s2+s9], $0x80, s17, s9, $0xb8;
	[tilespmem:$0x8100] =	vst v63  }
0x77: {  	_ = 	snop  }
0x78: {  	[hbm4b:s20+s12] =	stream.strided.scatter [tilespmem:s11], [sflag:$0x4], $0x2000, s14, s12, $0x38;
	[tilespmem:$0x8100] =	vst v63  }
.Ltmp1:
0x79: {  	_ = 	snop;
	(pc) =	sbr.rel @p0 .LBB2_1-.Ltmp1, $4  }
0x7a: {  	_ =	swait.ge [sflag:s7], $0x2000  }
0x7b: {  	[sflag:s7] =	ssyncset.done $0x0  }
0x7c: {  	[sflag:s7] =	ssyncadd.s32 $0xFFFFE000  }
0x7d: {  	[hbm4b:s22+s12] =	stream.strided.scatter [tilespmem:s13], [sflag:$0x3], $0x2000, s14, s12, $0x38;
	[tilespmem:$0x8100] =	vst v63  }
.LBB2_2:
0x7e: {  	_ =	swait.ge [sflag:s8], $0x2000  }
0x7f: {  	[sflag:s8] =	ssyncset.done $0x0  }
0x80: {  	[sflag:s8] =	ssyncadd.s32 $0xFFFFE000  }
0x81: {  	[hbm4b:s21+s12] =	stream.strided.scatter [tilespmem:s16], [sflag:$0x4], $0x2000, s14, s12, $0x38;
	[tilespmem:$0x8100] =	vst v63  }
0x82: {  	_ =	swait.ge [sflag:s19], $0x2000  }
0x83: {  	[sflag:s19] =	ssyncset.done $0x0  }
0x84: {  	[sflag:s19] =	ssyncadd.s32 $0xFFFFE000  }
0x85: {  	_ =	swait.ge [sflag:s18], $0x2000  }
0x86: {  	[sflag:s18] =	ssyncset.done $0x0  }
0x87: {  	[sflag:s18] =	ssyncadd.s32 $0xFFFFE000  }
0x88: {  	_ =	swait.ge [sflag:s19], $0x2000  }
0x89: {  	[sflag:s19] =	ssyncset.done $0x0  }
0x8a: {  	[sflag:s19] =	ssyncadd.s32 $0xFFFFE000  }
0x8b: {  	_ =	swait.ge [sflag:s18], $0x2000  }
0x8c: {  	[sflag:s18] =	ssyncset.done $0x0  }
0x8d: {  	[sflag:s18] =	ssyncadd.s32 $0xFFFFE000  }
0x8e: {  	_ =	sfence.sel $0x180000  }
0x8f: {  	[bflag:$0x0] =	sbarrier.arrive $0xFFFF  }
0x90: {  	p0 =	sne.s32 s0, $0x0;
	_ =	strace $0x90000047  }
0x91: {  	s0 =	sadd.s32 @!p0 $0x100000, s1;
	[bflag:$0x2] =	sbarrier.arrive $0xFFFF  }
0x92: {  	[sflag:s0] =	ssyncadd.tile.s32 @!p0 $0x1;
	_ =	shalt  }
.Lfunc_end2:
_tile_overlayer_lowered:
.L_overlay_start_2:
0x93: {  	(tag) =	ssettag $0x2  }
0x94: {  	s0 =	rddreg [dreg:$0x0];
	s2 =	stileid.u32  }
0x95: {  	s1 =	rddreg [dreg:$0x1];
	p0 =	sne.s32 s2, $0x0  }
0x96: {  	s3 =	rddreg [dreg:$0x2];
	[bflag:$0x3] =	sbarrier.arrive $0xFFFF;
	s2 =	simm.s32 @!p0 $0x1C05  }
0x97: {  	[timem:s3], [sflag:s2] =	dma.local @!p0 [hbm:s0], s1  }
0x98: {  	s0 =	simm.s32 @!p0 $0x5  }
0x99: {  	_ =	swait.ge @!p0 [sflag:s0], s1  }
0x9a: {  	s1 =	ssub.s32 @!p0 $0x0, s1;
	[sflag:s0] =	ssyncset.done @!p0 $0x0  }
0x9b: {  	[sflag:s0] =	ssyncadd.s32 @!p0 s1  }
0x9c: {  	[bflag:$0x3] =	sbarrier.arrive $0xFFFF  }
0x9d: {  	_ =	shalt  }

</sc_bundles>
